<compile_context>
chip_gen: v7x
topology: tpu7x:2x2x1
jax: 0.10.2.dev20260603
libtpu: 0.0.44.dev20260713+nightly
codegen_flags: <defaults>
</compile_context>

<pallas_src>
import functools

import jax
import jax.numpy as jnp
from jax import lax
from jax.experimental import pallas as pl
from jax.experimental.pallas import tpu as pltpu
from jax.experimental.pallas import tpu_sc as plsc

NBINS = 8192
DIM = 256
TM = 512

NC = 2
NS = 16
NW = NC * NS
CH = 128


def _argmax_body(h_ref, h2_ref, e2x_ref, e2_ref, out_ref):
    mm2 = lax.dot_general(
        h_ref[...], e2x_ref[...], (((1,), (1,)), ((), ())),
        preferred_element_type=jnp.float32,
    )
    t = (h2_ref[...] - mm2) + e2_ref[...]
    out_ref[...] = jnp.argmin(t, axis=1).astype(jnp.int32)


def _encode_indices(h, h2, e2x, e2):
    ntok = h.shape[0]
    return pl.pallas_call(
        _argmax_body,
        grid=(ntok // TM,),
        in_specs=[
            pl.BlockSpec((TM, DIM), lambda i: (i, 0)),
            pl.BlockSpec((TM, 1), lambda i: (i, 0)),
            pl.BlockSpec((NBINS, DIM), lambda i: (0, 0)),
            pl.BlockSpec((1, NBINS), lambda i: (0, 0)),
        ],
        out_specs=pl.BlockSpec((TM,), lambda i: (i,)),
        out_shape=jax.ShapeDtypeStruct((ntok,), jnp.int32),
    )(h, h2, e2x, e2)


def _make_sc_gather(ntok):
    bpw = ntok // NW
    nch = bpw // CH
    mesh = plsc.VectorSubcoreMesh(core_axis_name="c", subcore_axis_name="s")

    nbuf = 3

    @functools.partial(
        pl.kernel,
        mesh=mesh,
        out_type=jax.ShapeDtypeStruct((ntok, DIM), jnp.float32),
        scratch_types=[
            pltpu.VMEM((nch, CH), jnp.int32),
        ] + [pltpu.VMEM((CH, DIM), jnp.float32) for _ in range(nbuf)]
          + [pltpu.SemaphoreType.DMA for _ in range(2 * nbuf)],
    )
    def gather_kernel(table_hbm, idx_hbm, out_hbm, idx_v, *bufs_sems):
        bufs = bufs_sems[:nbuf]
        gsems = bufs_sems[nbuf:2 * nbuf]
        wsems = bufs_sems[2 * nbuf:]
        wid = lax.axis_index("s") * NC + lax.axis_index("c")
        pltpu.sync_copy(idx_hbm.at[pl.ds(wid * nch, nch)], idx_v)
        gcp = [None] * nch
        wcp = [None] * nbuf
        for c in range(min(2, nch)):
            gcp[c] = pltpu.async_copy(table_hbm.at[idx_v.at[c]],
                                      bufs[c % nbuf], gsems[c % nbuf])
        for c in range(nch):
            b = c % nbuf
            gcp[c].wait()
            wcp[b] = pltpu.async_copy(
                bufs[b], out_hbm.at[pl.ds(wid * bpw + c * CH, CH)], wsems[b])
            n = c + 2
            if n < nch:
                nb = n % nbuf
                if wcp[nb] is not None:
                    wcp[nb].wait()
                    wcp[nb] = None
                gcp[n] = pltpu.async_copy(table_hbm.at[idx_v.at[n]],
                                          bufs[nb], gsems[nb])
        for b in range(nbuf):
            if wcp[b] is not None:
                wcp[b].wait()

    return gather_kernel


def kernel(hidden_states, embed):
    shape = hidden_states.shape
    h = hidden_states.reshape((-1, shape[-1]))
    ntok = h.shape[0]
    embed_t = embed.T
    h2 = jnp.sum(h ** 2, axis=1, keepdims=True)
    e2 = jnp.sum(embed_t ** 2, axis=0, keepdims=True)
    idx = _encode_indices(h, h2, embed + embed, e2)
    idx2 = idx.reshape((ntok // CH, CH))
    quantize = _make_sc_gather(ntok)(embed, idx2)
    return quantize.reshape(shape)

# --- scband reference (transcript-rebuilt; emitter-appended) ---
"""Pipeline reference for scband-encodec-euclidean-codebook-75067438399886 (READ-ONLY COPY).

The authoritative reference and input builder live on the scoring server;
editing this copy changes nothing except your own understanding.
"""

import jax, jax.numpy as jnp
import numpy as np


def setup_inputs(seed: int = 0) -> dict:
    key = jax.random.key(seed)
    k1, k2 = jax.random.split(key)
    hidden_states = jax.random.normal(k1, (16, 2048, 256), dtype=jnp.float32)
    embed = jax.random.normal(k2, (8192, 256), dtype=jnp.float32)
    return {"hidden_states": hidden_states, "embed": embed}


def reference(hidden_states, embed):
    # encode: flatten, euclidean-distance quantize (argmax of negative distance)
    shape = hidden_states.shape
    h = hidden_states.reshape((-1, shape[-1]))
    embed_t = embed.T  # (dim, bins)
    dist = -(jnp.sum(h ** 2, axis=1, keepdims=True)
             - 2.0 * (h @ embed_t)
             + jnp.sum(embed_t ** 2, axis=0, keepdims=True))
    embed_ind = jnp.argmax(dist, axis=-1)
    embed_ind = embed_ind.reshape(shape[:-1])
    # decode: embedding lookup
    quantize = jnp.take(embed, embed_ind, axis=0)
    return quantize

if __name__ == "__main__":
    import jax
    _d = setup_inputs()
    print(jax.jit(kernel)(*tuple(_d.values())))

</pallas_src>

<mosaic_0001>
#map = affine_map<(d0, d1) -> (0, 0)>
module attributes {stable_mosaic.version = 14 : i64} {
  func.func @gather_kernel(%arg0: i32, %arg1: i32, %arg2: memref<8192x256xf32, #tpu.memory_space<hbm>>, %arg3: memref<256x128xi32, #tpu.memory_space<hbm>>, %arg4: memref<32768x256xf32, #tpu.memory_space<hbm>>, %arg5: memref<8x128xi32, #tpu.memory_space<vmem>>, %arg6: memref<128x256xf32, #tpu.memory_space<vmem>>, %arg7: memref<128x256xf32, #tpu.memory_space<vmem>>, %arg8: memref<128x256xf32, #tpu.memory_space<vmem>>, %arg9: memref<!tpu.dma_semaphore, #tpu.memory_space<semaphore_mem>>, %arg10: memref<!tpu.dma_semaphore, #tpu.memory_space<semaphore_mem>>, %arg11: memref<!tpu.dma_semaphore, #tpu.memory_space<semaphore_mem>>, %arg12: memref<!tpu.dma_semaphore, #tpu.memory_space<semaphore_mem>>, %arg13: memref<!tpu.dma_semaphore, #tpu.memory_space<semaphore_mem>>, %arg14: memref<!tpu.dma_semaphore, #tpu.memory_space<semaphore_mem>>) attributes {dimension_semantics = [#tpu.dimension_semantics<core_parallel>, #tpu.dimension_semantics<subcore_parallel>], iteration_bounds = array<i64: 2, 16>, scalar_prefetch = 0 : i64, scratch_operands = 10 : i64, tpu.core_type = #tpu.core_type<sc_vector_subcore>, window_params = [{transform_indices = #map}, {transform_indices = #map}, {transform_indices = #map}]} {
    %mul3A = arith.constant 2 : i32
    %mul3A_0 = arith.muli %arg1, %mul3A : i32
    %add3A = arith.addi %mul3A_0, %arg0 : i32
    %mul3A_1 = arith.constant 8 : i32
    %mul3A_2 = arith.muli %add3A, %mul3A_1 : i32
    "tpu.region"() ({
      %run_scoped3A = tpu.sem_alloc : memref<!tpu.dma_semaphore, #tpu.memory_space<semaphore_mem>>
      %dma_start3A_209 = arith.constant 0 : i32
      %dma_start3A_210 = tpu.memref_slice %arg3[%mul3A_2, %dma_start3A_209] : memref<256x128xi32, #tpu.memory_space<hbm>> -> memref<8x128xi32, #tpu.memory_space<hbm>>
      %dma_start3A_211 = arith.constant 0 : i32
      %dma_start3A_212 = tpu.memref_slice %arg3[%mul3A_2, %dma_start3A_211] : memref<256x128xi32, #tpu.memory_space<hbm>> -> memref<8x128xi32, #tpu.memory_space<hbm>>
      tpu.enqueue_dma source(%dma_start3A_212 : memref<8x128xi32, #tpu.memory_space<hbm>>) target(%arg5 : memref<8x128xi32, #tpu.memory_space<vmem>>) target_semaphore(%run_scoped3A : memref<!tpu.dma_semaphore, #tpu.memory_space<semaphore_mem>>)
      %dma_wait3A_213 = arith.constant 0 : i32
      %dma_wait3A_214 = tpu.memref_slice %arg3[%mul3A_2, %dma_wait3A_213] : memref<256x128xi32, #tpu.memory_space<hbm>> -> memref<8x128xi32, #tpu.memory_space<hbm>>
      %dma_wait3A_215 = arith.constant 0 : i32
      %dma_wait3A_216 = tpu.memref_slice %arg3[%mul3A_2, %dma_wait3A_215] : memref<256x128xi32, #tpu.memory_space<hbm>> -> memref<8x128xi32, #tpu.memory_space<hbm>>
      tpu.wait_dma2 semaphore(%run_scoped3A : memref<!tpu.dma_semaphore, #tpu.memory_space<semaphore_mem>>) src(%dma_wait3A_216 : memref<8x128xi32, #tpu.memory_space<hbm>>) dst(%arg5 : memref<8x128xi32, #tpu.memory_space<vmem>>)
      tpu.yield
    }) : () -> ()
    %dma_start3A = arith.constant 0 : i32
    %dma_start3A_3 = arith.constant 0 : i32
    %dma_start3A_4 = tpu.memref_slice %arg5[%dma_start3A, %dma_start3A_3] : memref<8x128xi32, #tpu.memory_space<vmem>> -> memref<1x128xi32, #tpu.memory_space<vmem>>
    %dma_start3A_5 = tpu.memref_squeeze %dma_start3A_4 : memref<1x128xi32, #tpu.memory_space<vmem>> -> memref<128xi32, #tpu.memory_space<vmem>>
    %dma_start3A_6 = arith.constant 0 : i32
    %dma_start3A_7 = arith.constant 0 : i32
    %dma_start3A_8 = tpu.memref_slice %arg2[%dma_start3A_6, %dma_start3A_7] : memref<8192x256xf32, #tpu.memory_space<hbm>> -> memref<8192x256xf32, #tpu.memory_space<hbm>>
    tpu.enqueue_indirect_dma source(%dma_start3A_8 : memref<8192x256xf32, #tpu.memory_space<hbm>>) target(%arg6 : memref<128x256xf32, #tpu.memory_space<vmem>>) offsets(%dma_start3A_5 : memref<128xi32, #tpu.memory_space<vmem>>) semaphore(%arg9 : memref<!tpu.dma_semaphore, #tpu.memory_space<semaphore_mem>>)
    %dma_start3A_9 = arith.constant 1 : i32
    %dma_start3A_10 = arith.constant 0 : i32
    %dma_start3A_11 = tpu.memref_slice %arg5[%dma_start3A_9, %dma_start3A_10] : memref<8x128xi32, #tpu.memory_space<vmem>> -> memref<1x128xi32, #tpu.memory_space<vmem>>
    %dma_start3A_12 = tpu.memref_squeeze %dma_start3A_11 : memref<1x128xi32, #tpu.memory_space<vmem>> -> memref<128xi32, #tpu.memory_space<vmem>>
    %dma_start3A_13 = arith.constant 0 : i32
    %dma_start3A_14 = arith.constant 0 : i32
    %dma_start3A_15 = tpu.memref_slice %arg2[%dma_start3A_13, %dma_start3A_14] : memref<8192x256xf32, #tpu.memory_space<hbm>> -> memref<8192x256xf32, #tpu.memory_space<hbm>>
    tpu.enqueue_indirect_dma source(%dma_start3A_15 : memref<8192x256xf32, #tpu.memory_space<hbm>>) target(%arg7 : memref<128x256xf32, #tpu.memory_space<vmem>>) offsets(%dma_start3A_12 : memref<128xi32, #tpu.memory_space<vmem>>) semaphore(%arg10 : memref<!tpu.dma_semaphore, #tpu.memory_space<semaphore_mem>>)
    %dma_wait3A = arith.constant 0 : i32
    %dma_wait3A_16 = arith.constant 0 : i32
    %dma_wait3A_17 = tpu.memref_slice %arg5[%dma_wait3A, %dma_wait3A_16] : memref<8x128xi32, #tpu.memory_space<vmem>> -> memref<1x128xi32, #tpu.memory_space<vmem>>
    %dma_wait3A_18 = tpu.memref_squeeze %dma_wait3A_17 : memref<1x128xi32, #tpu.memory_space<vmem>> -> memref<128xi32, #tpu.memory_space<vmem>>
    %dma_wait3A_19 = arith.constant 0 : i32
    %dma_wait3A_20 = arith.constant 0 : i32
    %dma_wait3A_21 = tpu.memref_slice %arg2[%dma_wait3A_19, %dma_wait3A_20] : memref<8192x256xf32, #tpu.memory_space<hbm>> -> memref<8192x256xf32, #tpu.memory_space<hbm>>
    tpu.wait_indirect_dma semaphore(%arg9 : memref<!tpu.dma_semaphore, #tpu.memory_space<semaphore_mem>>) src(%dma_wait3A_21 : memref<8192x256xf32, #tpu.memory_space<hbm>>) dst(%arg6 : memref<128x256xf32, #tpu.memory_space<vmem>>)
    %mul3A_22 = arith.constant 1024 : i32
    %mul3A_23 = arith.muli %add3A, %mul3A_22 : i32
    %add3A_24 = arith.constant 0 : i32
    %add3A_25 = arith.addi %mul3A_23, %add3A_24 : i32
    %dma_start3A_26 = arith.constant 0 : i32
    %dma_start3A_27 = tpu.memref_slice %arg4[%add3A_25, %dma_start3A_26] : memref<32768x256xf32, #tpu.memory_space<hbm>> -> memref<128x256xf32, #tpu.memory_space<hbm>>
    %dma_start3A_28 = arith.constant 0 : i32
    %dma_start3A_29 = tpu.memref_slice %arg4[%add3A_25, %dma_start3A_28] : memref<32768x256xf32, #tpu.memory_space<hbm>> -> memref<128x256xf32, #tpu.memory_space<hbm>>
    tpu.enqueue_dma source(%arg6 : memref<128x256xf32, #tpu.memory_space<vmem>>) target(%dma_start3A_29 : memref<128x256xf32, #tpu.memory_space<hbm>>) target_semaphore(%arg12 : memref<!tpu.dma_semaphore, #tpu.memory_space<semaphore_mem>>)
    %dma_start3A_30 = arith.constant 2 : i32
    %dma_start3A_31 = arith.constant 0 : i32
    %dma_start3A_32 = tpu.memref_slice %arg5[%dma_start3A_30, %dma_start3A_31] : memref<8x128xi32, #tpu.memory_space<vmem>> -> memref<1x128xi32, #tpu.memory_space<vmem>>
    %dma_start3A_33 = tpu.memref_squeeze %dma_start3A_32 : memref<1x128xi32, #tpu.memory_space<vmem>> -> memref<128xi32, #tpu.memory_space<vmem>>
    %dma_start3A_34 = arith.constant 0 : i32
    %dma_start3A_35 = arith.constant 0 : i32
    %dma_start3A_36 = tpu.memref_slice %arg2[%dma_start3A_34, %dma_start3A_35] : memref<8192x256xf32, #tpu.memory_space<hbm>> -> memref<8192x256xf32, #tpu.memory_space<hbm>>
    tpu.enqueue_indirect_dma source(%dma_start3A_36 : memref<8192x256xf32, #tpu.memory_space<hbm>>) target(%arg8 : memref<128x256xf32, #tpu.memory_space<vmem>>) offsets(%dma_start3A_33 : memref<128xi32, #tpu.memory_space<vmem>>) semaphore(%arg11 : memref<!tpu.dma_semaphore, #tpu.memory_space<semaphore_mem>>)
    %dma_wait3A_37 = arith.constant 1 : i32
    %dma_wait3A_38 = arith.constant 0 : i32
    %dma_wait3A_39 = tpu.memref_slice %arg5[%dma_wait3A_37, %dma_wait3A_38] : memref<8x128xi32, #tpu.memory_space<vmem>> -> memref<1x128xi32, #tpu.memory_space<vmem>>
    %dma_wait3A_40 = tpu.memref_squeeze %dma_wait3A_39 : memref<1x128xi32, #tpu.memory_space<vmem>> -> memref<128xi32, #tpu.memory_space<vmem>>
    %dma_wait3A_41 = arith.constant 0 : i32
    %dma_wait3A_42 = arith.constant 0 : i32
    %dma_wait3A_43 = tpu.memref_slice %arg2[%dma_wait3A_41, %dma_wait3A_42] : memref<8192x256xf32, #tpu.memory_space<hbm>> -> memref<8192x256xf32, #tpu.memory_space<hbm>>
    tpu.wait_indirect_dma semaphore(%arg10 : memref<!tpu.dma_semaphore, #tpu.memory_space<semaphore_mem>>) src(%dma_wait3A_43 : memref<8192x256xf32, #tpu.memory_space<hbm>>) dst(%arg7 : memref<128x256xf32, #tpu.memory_space<vmem>>)
    %mul3A_44 = arith.constant 1024 : i32
    %mul3A_45 = arith.muli %add3A, %mul3A_44 : i32
    %add3A_46 = arith.constant 128 : i32
    %add3A_47 = arith.addi %mul3A_45, %add3A_46 : i32
    %dma_start3A_48 = arith.constant 0 : i32
    %dma_start3A_49 = tpu.memref_slice %arg4[%add3A_47, %dma_start3A_48] : memref<32768x256xf32, #tpu.memory_space<hbm>> -> memref<128x256xf32, #tpu.memory_space<hbm>>
    %dma_start3A_50 = arith.constant 0 : i32
    %dma_start3A_51 = tpu.memref_slice %arg4[%add3A_47, %dma_start3A_50] : memref<32768x256xf32, #tpu.memory_space<hbm>> -> memref<128x256xf32, #tpu.memory_space<hbm>>
    tpu.enqueue_dma source(%arg7 : memref<128x256xf32, #tpu.memory_space<vmem>>) target(%dma_start3A_51 : memref<128x256xf32, #tpu.memory_space<hbm>>) target_semaphore(%arg13 : memref<!tpu.dma_semaphore, #tpu.memory_space<semaphore_mem>>)
    %dma_wait3A_52 = arith.constant 0 : i32
    %dma_wait3A_53 = tpu.memref_slice %arg4[%add3A_25, %dma_wait3A_52] : memref<32768x256xf32, #tpu.memory_space<hbm>> -> memref<128x256xf32, #tpu.memory_space<hbm>>
    %dma_wait3A_54 = arith.constant 0 : i32
    %dma_wait3A_55 = tpu.memref_slice %arg4[%add3A_25, %dma_wait3A_54] : memref<32768x256xf32, #tpu.memory_space<hbm>> -> memref<128x256xf32, #tpu.memory_space<hbm>>
    tpu.wait_dma2 semaphore(%arg12 : memref<!tpu.dma_semaphore, #tpu.memory_space<semaphore_mem>>) src(%arg6 : memref<128x256xf32, #tpu.memory_space<vmem>>) dst(%dma_wait3A_55 : memref<128x256xf32, #tpu.memory_space<hbm>>)
    %dma_start3A_56 = arith.constant 3 : i32
    %dma_start3A_57 = arith.constant 0 : i32
    %dma_start3A_58 = tpu.memref_slice %arg5[%dma_start3A_56, %dma_start3A_57] : memref<8x128xi32, #tpu.memory_space<vmem>> -> memref<1x128xi32, #tpu.memory_space<vmem>>
    %dma_start3A_59 = tpu.memref_squeeze %dma_start3A_58 : memref<1x128xi32, #tpu.memory_space<vmem>> -> memref<128xi32, #tpu.memory_space<vmem>>
    %dma_start3A_60 = arith.constant 0 : i32
    %dma_start3A_61 = arith.constant 0 : i32
    %dma_start3A_62 = tpu.memref_slice %arg2[%dma_start3A_60, %dma_start3A_61] : memref<8192x256xf32, #tpu.memory_space<hbm>> -> memref<8192x256xf32, #tpu.memory_space<hbm>>
    tpu.enqueue_indirect_dma source(%dma_start3A_62 : memref<8192x256xf32, #tpu.memory_space<hbm>>) target(%arg6 : memref<128x256xf32, #tpu.memory_space<vmem>>) offsets(%dma_start3A_59 : memref<128xi32, #tpu.memory_space<vmem>>) semaphore(%arg9 : memref<!tpu.dma_semaphore, #tpu.memory_space<semaphore_mem>>)
    %dma_wait3A_63 = arith.constant 2 : i32
    %dma_wait3A_64 = arith.constant 0 : i32
    %dma_wait3A_65 = tpu.memref_slice %arg5[%dma_wait3A_63, %dma_wait3A_64] : memref<8x128xi32, #tpu.memory_space<vmem>> -> memref<1x128xi32, #tpu.memory_space<vmem>>
    %dma_wait3A_66 = tpu.memref_squeeze %dma_wait3A_65 : memref<1x128xi32, #tpu.memory_space<vmem>> -> memref<128xi32, #tpu.memory_space<vmem>>
    %dma_wait3A_67 = arith.constant 0 : i32
    %dma_wait3A_68 = arith.constant 0 : i32
    %dma_wait3A_69 = tpu.memref_slice %arg2[%dma_wait3A_67, %dma_wait3A_68] : memref<8192x256xf32, #tpu.memory_space<hbm>> -> memref<8192x256xf32, #tpu.memory_space<hbm>>
    tpu.wait_indirect_dma semaphore(%arg11 : memref<!tpu.dma_semaphore, #tpu.memory_space<semaphore_mem>>) src(%dma_wait3A_69 : memref<8192x256xf32, #tpu.memory_space<hbm>>) dst(%arg8 : memref<128x256xf32, #tpu.memory_space<vmem>>)
    %mul3A_70 = arith.constant 1024 : i32
    %mul3A_71 = arith.muli %add3A, %mul3A_70 : i32
    %add3A_72 = arith.constant 256 : i32
    %add3A_73 = arith.addi %mul3A_71, %add3A_72 : i32
    %dma_start3A_74 = arith.constant 0 : i32
    %dma_start3A_75 = tpu.memref_slice %arg4[%add3A_73, %dma_start3A_74] : memref<32768x256xf32, #tpu.memory_space<hbm>> -> memref<128x256xf32, #tpu.memory_space<hbm>>
    %dma_start3A_76 = arith.constant 0 : i32
    %dma_start3A_77 = tpu.memref_slice %arg4[%add3A_73, %dma_start3A_76] : memref<32768x256xf32, #tpu.memory_space<hbm>> -> memref<128x256xf32, #tpu.memory_space<hbm>>
    tpu.enqueue_dma source(%arg8 : memref<128x256xf32, #tpu.memory_space<vmem>>) target(%dma_start3A_77 : memref<128x256xf32, #tpu.memory_space<hbm>>) target_semaphore(%arg14 : memref<!tpu.dma_semaphore, #tpu.memory_space<semaphore_mem>>)
    %dma_wait3A_78 = arith.constant 0 : i32
    %dma_wait3A_79 = tpu.memref_slice %arg4[%add3A_47, %dma_wait3A_78] : memref<32768x256xf32, #tpu.memory_space<hbm>> -> memref<128x256xf32, #tpu.memory_space<hbm>>
    %dma_wait3A_80 = arith.constant 0 : i32
    %dma_wait3A_81 = tpu.memref_slice %arg4[%add3A_47, %dma_wait3A_80] : memref<32768x256xf32, #tpu.memory_space<hbm>> -> memref<128x256xf32, #tpu.memory_space<hbm>>
    tpu.wait_dma2 semaphore(%arg13 : memref<!tpu.dma_semaphore, #tpu.memory_space<semaphore_mem>>) src(%arg7 : memref<128x256xf32, #tpu.memory_space<vmem>>) dst(%dma_wait3A_81 : memref<128x256xf32, #tpu.memory_space<hbm>>)
    %dma_start3A_82 = arith.constant 4 : i32
    %dma_start3A_83 = arith.constant 0 : i32
    %dma_start3A_84 = tpu.memref_slice %arg5[%dma_start3A_82, %dma_start3A_83] : memref<8x128xi32, #tpu.memory_space<vmem>> -> memref<1x128xi32, #tpu.memory_space<vmem>>
    %dma_start3A_85 = tpu.memref_squeeze %dma_start3A_84 : memref<1x128xi32, #tpu.memory_space<vmem>> -> memref<128xi32, #tpu.memory_space<vmem>>
    %dma_start3A_86 = arith.constant 0 : i32
    %dma_start3A_87 = arith.constant 0 : i32
    %dma_start3A_88 = tpu.memref_slice %arg2[%dma_start3A_86, %dma_start3A_87] : memref<8192x256xf32, #tpu.memory_space<hbm>> -> memref<8192x256xf32, #tpu.memory_space<hbm>>
    tpu.enqueue_indirect_dma source(%dma_start3A_88 : memref<8192x256xf32, #tpu.memory_space<hbm>>) target(%arg7 : memref<128x256xf32, #tpu.memory_space<vmem>>) offsets(%dma_start3A_85 : memref<128xi32, #tpu.memory_space<vmem>>) semaphore(%arg10 : memref<!tpu.dma_semaphore, #tpu.memory_space<semaphore_mem>>)
    %dma_wait3A_89 = arith.constant 3 : i32
    %dma_wait3A_90 = arith.constant 0 : i32
    %dma_wait3A_91 = tpu.memref_slice %arg5[%dma_wait3A_89, %dma_wait3A_90] : memref<8x128xi32, #tpu.memory_space<vmem>> -> memref<1x128xi32, #tpu.memory_space<vmem>>
    %dma_wait3A_92 = tpu.memref_squeeze %dma_wait3A_91 : memref<1x128xi32, #tpu.memory_space<vmem>> -> memref<128xi32, #tpu.memory_space<vmem>>
    %dma_wait3A_93 = arith.constant 0 : i32
    %dma_wait3A_94 = arith.constant 0 : i32
    %dma_wait3A_95 = tpu.memref_slice %arg2[%dma_wait3A_93, %dma_wait3A_94] : memref<8192x256xf32, #tpu.memory_space<hbm>> -> memref<8192x256xf32, #tpu.memory_space<hbm>>
    tpu.wait_indirect_dma semaphore(%arg9 : memref<!tpu.dma_semaphore, #tpu.memory_space<semaphore_mem>>) src(%dma_wait3A_95 : memref<8192x256xf32, #tpu.memory_space<hbm>>) dst(%arg6 : memref<128x256xf32, #tpu.memory_space<vmem>>)
    %mul3A_96 = arith.constant 1024 : i32
    %mul3A_97 = arith.muli %add3A, %mul3A_96 : i32
    %add3A_98 = arith.constant 384 : i32
    %add3A_99 = arith.addi %mul3A_97, %add3A_98 : i32
    %dma_start3A_100 = arith.constant 0 : i32
    %dma_start3A_101 = tpu.memref_slice %arg4[%add3A_99, %dma_start3A_100] : memref<32768x256xf32, #tpu.memory_space<hbm>> -> memref<128x256xf32, #tpu.memory_space<hbm>>
    %dma_start3A_102 = arith.constant 0 : i32
    %dma_start3A_103 = tpu.memref_slice %arg4[%add3A_99, %dma_start3A_102] : memref<32768x256xf32, #tpu.memory_space<hbm>> -> memref<128x256xf32, #tpu.memory_space<hbm>>
    tpu.enqueue_dma source(%arg6 : memref<128x256xf32, #tpu.memory_space<vmem>>) target(%dma_start3A_103 : memref<128x256xf32, #tpu.memory_space<hbm>>) target_semaphore(%arg12 : memref<!tpu.dma_semaphore, #tpu.memory_space<semaphore_mem>>)
    %dma_wait3A_104 = arith.constant 0 : i32
    %dma_wait3A_105 = tpu.memref_slice %arg4[%add3A_73, %dma_wait3A_104] : memref<32768x256xf32, #tpu.memory_space<hbm>> -> memref<128x256xf32, #tpu.memory_space<hbm>>
    %dma_wait3A_106 = arith.constant 0 : i32
    %dma_wait3A_107 = tpu.memref_slice %arg4[%add3A_73, %dma_wait3A_106] : memref<32768x256xf32, #tpu.memory_space<hbm>> -> memref<128x256xf32, #tpu.memory_space<hbm>>
    tpu.wait_dma2 semaphore(%arg14 : memref<!tpu.dma_semaphore, #tpu.memory_space<semaphore_mem>>) src(%arg8 : memref<128x256xf32, #tpu.memory_space<vmem>>) dst(%dma_wait3A_107 : memref<128x256xf32, #tpu.memory_space<hbm>>)
    %dma_start3A_108 = arith.constant 5 : i32
    %dma_start3A_109 = arith.constant 0 : i32
    %dma_start3A_110 = tpu.memref_slice %arg5[%dma_start3A_108, %dma_start3A_109] : memref<8x128xi32, #tpu.memory_space<vmem>> -> memref<1x128xi32, #tpu.memory_space<vmem>>
    %dma_start3A_111 = tpu.memref_squeeze %dma_start3A_110 : memref<1x128xi32, #tpu.memory_space<vmem>> -> memref<128xi32, #tpu.memory_space<vmem>>
    %dma_start3A_112 = arith.constant 0 : i32
    %dma_start3A_113 = arith.constant 0 : i32
    %dma_start3A_114 = tpu.memref_slice %arg2[%dma_start3A_112, %dma_start3A_113] : memref<8192x256xf32, #tpu.memory_space<hbm>> -> memref<8192x256xf32, #tpu.memory_space<hbm>>
    tpu.enqueue_indirect_dma source(%dma_start3A_114 : memref<8192x256xf32, #tpu.memory_space<hbm>>) target(%arg8 : memref<128x256xf32, #tpu.memory_space<vmem>>) offsets(%dma_start3A_111 : memref<128xi32, #tpu.memory_space<vmem>>) semaphore(%arg11 : memref<!tpu.dma_semaphore, #tpu.memory_space<semaphore_mem>>)
    %dma_wait3A_115 = arith.constant 4 : i32
    %dma_wait3A_116 = arith.constant 0 : i32
    %dma_wait3A_117 = tpu.memref_slice %arg5[%dma_wait3A_115, %dma_wait3A_116] : memref<8x128xi32, #tpu.memory_space<vmem>> -> memref<1x128xi32, #tpu.memory_space<vmem>>
    %dma_wait3A_118 = tpu.memref_squeeze %dma_wait3A_117 : memref<1x128xi32, #tpu.memory_space<vmem>> -> memref<128xi32, #tpu.memory_space<vmem>>
    %dma_wait3A_119 = arith.constant 0 : i32
    %dma_wait3A_120 = arith.constant 0 : i32
    %dma_wait3A_121 = tpu.memref_slice %arg2[%dma_wait3A_119, %dma_wait3A_120] : memref<8192x256xf32, #tpu.memory_space<hbm>> -> memref<8192x256xf32, #tpu.memory_space<hbm>>
    tpu.wait_indirect_dma semaphore(%arg10 : memref<!tpu.dma_semaphore, #tpu.memory_space<semaphore_mem>>) src(%dma_wait3A_121 : memref<8192x256xf32, #tpu.memory_space<hbm>>) dst(%arg7 : memref<128x256xf32, #tpu.memory_space<vmem>>)
    %mul3A_122 = arith.constant 1024 : i32
    %mul3A_123 = arith.muli %add3A, %mul3A_122 : i32
    %add3A_124 = arith.constant 512 : i32
    %add3A_125 = arith.addi %mul3A_123, %add3A_124 : i32
    %dma_start3A_126 = arith.constant 0 : i32
    %dma_start3A_127 = tpu.memref_slice %arg4[%add3A_125, %dma_start3A_126] : memref<32768x256xf32, #tpu.memory_space<hbm>> -> memref<128x256xf32, #tpu.memory_space<hbm>>
    %dma_start3A_128 = arith.constant 0 : i32
    %dma_start3A_129 = tpu.memref_slice %arg4[%add3A_125, %dma_start3A_128] : memref<32768x256xf32, #tpu.memory_space<hbm>> -> memref<128x256xf32, #tpu.memory_space<hbm>>
    tpu.enqueue_dma source(%arg7 : memref<128x256xf32, #tpu.memory_space<vmem>>) target(%dma_start3A_129 : memref<128x256xf32, #tpu.memory_space<hbm>>) target_semaphore(%arg13 : memref<!tpu.dma_semaphore, #tpu.memory_space<semaphore_mem>>)
    %dma_wait3A_130 = arith.constant 0 : i32
    %dma_wait3A_131 = tpu.memref_slice %arg4[%add3A_99, %dma_wait3A_130] : memref<32768x256xf32, #tpu.memory_space<hbm>> -> memref<128x256xf32, #tpu.memory_space<hbm>>
    %dma_wait3A_132 = arith.constant 0 : i32
    %dma_wait3A_133 = tpu.memref_slice %arg4[%add3A_99, %dma_wait3A_132] : memref<32768x256xf32, #tpu.memory_space<hbm>> -> memref<128x256xf32, #tpu.memory_space<hbm>>
    tpu.wait_dma2 semaphore(%arg12 : memref<!tpu.dma_semaphore, #tpu.memory_space<semaphore_mem>>) src(%arg6 : memref<128x256xf32, #tpu.memory_space<vmem>>) dst(%dma_wait3A_133 : memref<128x256xf32, #tpu.memory_space<hbm>>)
    %dma_start3A_134 = arith.constant 6 : i32
    %dma_start3A_135 = arith.constant 0 : i32
    %dma_start3A_136 = tpu.memref_slice %arg5[%dma_start3A_134, %dma_start3A_135] : memref<8x128xi32, #tpu.memory_space<vmem>> -> memref<1x128xi32, #tpu.memory_space<vmem>>
    %dma_start3A_137 = tpu.memref_squeeze %dma_start3A_136 : memref<1x128xi32, #tpu.memory_space<vmem>> -> memref<128xi32, #tpu.memory_space<vmem>>
    %dma_start3A_138 = arith.constant 0 : i32
    %dma_start3A_139 = arith.constant 0 : i32
    %dma_start3A_140 = tpu.memref_slice %arg2[%dma_start3A_138, %dma_start3A_139] : memref<8192x256xf32, #tpu.memory_space<hbm>> -> memref<8192x256xf32, #tpu.memory_space<hbm>>
    tpu.enqueue_indirect_dma source(%dma_start3A_140 : memref<8192x256xf32, #tpu.memory_space<hbm>>) target(%arg6 : memref<128x256xf32, #tpu.memory_space<vmem>>) offsets(%dma_start3A_137 : memref<128xi32, #tpu.memory_space<vmem>>) semaphore(%arg9 : memref<!tpu.dma_semaphore, #tpu.memory_space<semaphore_mem>>)
    %dma_wait3A_141 = arith.constant 5 : i32
    %dma_wait3A_142 = arith.constant 0 : i32
    %dma_wait3A_143 = tpu.memref_slice %arg5[%dma_wait3A_141, %dma_wait3A_142] : memref<8x128xi32, #tpu.memory_space<vmem>> -> memref<1x128xi32, #tpu.memory_space<vmem>>
    %dma_wait3A_144 = tpu.memref_squeeze %dma_wait3A_143 : memref<1x128xi32, #tpu.memory_space<vmem>> -> memref<128xi32, #tpu.memory_space<vmem>>
    %dma_wait3A_145 = arith.constant 0 : i32
    %dma_wait3A_146 = arith.constant 0 : i32
    %dma_wait3A_147 = tpu.memref_slice %arg2[%dma_wait3A_145, %dma_wait3A_146] : memref<8192x256xf32, #tpu.memory_space<hbm>> -> memref<8192x256xf32, #tpu.memory_space<hbm>>
    tpu.wait_indirect_dma semaphore(%arg11 : memref<!tpu.dma_semaphore, #tpu.memory_space<semaphore_mem>>) src(%dma_wait3A_147 : memref<8192x256xf32, #tpu.memory_space<hbm>>) dst(%arg8 : memref<128x256xf32, #tpu.memory_space<vmem>>)
    %mul3A_148 = arith.constant 1024 : i32
    %mul3A_149 = arith.muli %add3A, %mul3A_148 : i32
    %add3A_150 = arith.constant 640 : i32
    %add3A_151 = arith.addi %mul3A_149, %add3A_150 : i32
    %dma_start3A_152 = arith.constant 0 : i32
    %dma_start3A_153 = tpu.memref_slice %arg4[%add3A_151, %dma_start3A_152] : memref<32768x256xf32, #tpu.memory_space<hbm>> -> memref<128x256xf32, #tpu.memory_space<hbm>>
    %dma_start3A_154 = arith.constant 0 : i32
    %dma_start3A_155 = tpu.memref_slice %arg4[%add3A_151, %dma_start3A_154] : memref<32768x256xf32, #tpu.memory_space<hbm>> -> memref<128x256xf32, #tpu.memory_space<hbm>>
    tpu.enqueue_dma source(%arg8 : memref<128x256xf32, #tpu.memory_space<vmem>>) target(%dma_start3A_155 : memref<128x256xf32, #tpu.memory_space<hbm>>) target_semaphore(%arg14 : memref<!tpu.dma_semaphore, #tpu.memory_space<semaphore_mem>>)
    %dma_wait3A_156 = arith.constant 0 : i32
    %dma_wait3A_157 = tpu.memref_slice %arg4[%add3A_125, %dma_wait3A_156] : memref<32768x256xf32, #tpu.memory_space<hbm>> -> memref<128x256xf32, #tpu.memory_space<hbm>>
    %dma_wait3A_158 = arith.constant 0 : i32
    %dma_wait3A_159 = tpu.memref_slice %arg4[%add3A_125, %dma_wait3A_158] : memref<32768x256xf32, #tpu.memory_space<hbm>> -> memref<128x256xf32, #tpu.memory_space<hbm>>
    tpu.wait_dma2 semaphore(%arg13 : memref<!tpu.dma_semaphore, #tpu.memory_space<semaphore_mem>>) src(%arg7 : memref<128x256xf32, #tpu.memory_space<vmem>>) dst(%dma_wait3A_159 : memref<128x256xf32, #tpu.memory_space<hbm>>)
    %dma_start3A_160 = arith.constant 7 : i32
    %dma_start3A_161 = arith.constant 0 : i32
    %dma_start3A_162 = tpu.memref_slice %arg5[%dma_start3A_160, %dma_start3A_161] : memref<8x128xi32, #tpu.memory_space<vmem>> -> memref<1x128xi32, #tpu.memory_space<vmem>>
    %dma_start3A_163 = tpu.memref_squeeze %dma_start3A_162 : memref<1x128xi32, #tpu.memory_space<vmem>> -> memref<128xi32, #tpu.memory_space<vmem>>
    %dma_start3A_164 = arith.constant 0 : i32
    %dma_start3A_165 = arith.constant 0 : i32
    %dma_start3A_166 = tpu.memref_slice %arg2[%dma_start3A_164, %dma_start3A_165] : memref<8192x256xf32, #tpu.memory_space<hbm>> -> memref<8192x256xf32, #tpu.memory_space<hbm>>
    tpu.enqueue_indirect_dma source(%dma_start3A_166 : memref<8192x256xf32, #tpu.memory_space<hbm>>) target(%arg7 : memref<128x256xf32, #tpu.memory_space<vmem>>) offsets(%dma_start3A_163 : memref<128xi32, #tpu.memory_space<vmem>>) semaphore(%arg10 : memref<!tpu.dma_semaphore, #tpu.memory_space<semaphore_mem>>)
    %dma_wait3A_167 = arith.constant 6 : i32
    %dma_wait3A_168 = arith.constant 0 : i32
    %dma_wait3A_169 = tpu.memref_slice %arg5[%dma_wait3A_167, %dma_wait3A_168] : memref<8x128xi32, #tpu.memory_space<vmem>> -> memref<1x128xi32, #tpu.memory_space<vmem>>
    %dma_wait3A_170 = tpu.memref_squeeze %dma_wait3A_169 : memref<1x128xi32, #tpu.memory_space<vmem>> -> memref<128xi32, #tpu.memory_space<vmem>>
    %dma_wait3A_171 = arith.constant 0 : i32
    %dma_wait3A_172 = arith.constant 0 : i32
    %dma_wait3A_173 = tpu.memref_slice %arg2[%dma_wait3A_171, %dma_wait3A_172] : memref<8192x256xf32, #tpu.memory_space<hbm>> -> memref<8192x256xf32, #tpu.memory_space<hbm>>
    tpu.wait_indirect_dma semaphore(%arg9 : memref<!tpu.dma_semaphore, #tpu.memory_space<semaphore_mem>>) src(%dma_wait3A_173 : memref<8192x256xf32, #tpu.memory_space<hbm>>) dst(%arg6 : memref<128x256xf32, #tpu.memory_space<vmem>>)
    %mul3A_174 = arith.constant 1024 : i32
    %mul3A_175 = arith.muli %add3A, %mul3A_174 : i32
    %add3A_176 = arith.constant 768 : i32
    %add3A_177 = arith.addi %mul3A_175, %add3A_176 : i32
    %dma_start3A_178 = arith.constant 0 : i32
    %dma_start3A_179 = tpu.memref_slice %arg4[%add3A_177, %dma_start3A_178] : memref<32768x256xf32, #tpu.memory_space<hbm>> -> memref<128x256xf32, #tpu.memory_space<hbm>>
    %dma_start3A_180 = arith.constant 0 : i32
    %dma_start3A_181 = tpu.memref_slice %arg4[%add3A_177, %dma_start3A_180] : memref<32768x256xf32, #tpu.memory_space<hbm>> -> memref<128x256xf32, #tpu.memory_space<hbm>>
    tpu.enqueue_dma source(%arg6 : memref<128x256xf32, #tpu.memory_space<vmem>>) target(%dma_start3A_181 : memref<128x256xf32, #tpu.memory_space<hbm>>) target_semaphore(%arg12 : memref<!tpu.dma_semaphore, #tpu.memory_space<semaphore_mem>>)
    %dma_wait3A_182 = arith.constant 7 : i32
    %dma_wait3A_183 = arith.constant 0 : i32
    %dma_wait3A_184 = tpu.memref_slice %arg5[%dma_wait3A_182, %dma_wait3A_183] : memref<8x128xi32, #tpu.memory_space<vmem>> -> memref<1x128xi32, #tpu.memory_space<vmem>>
    %dma_wait3A_185 = tpu.memref_squeeze %dma_wait3A_184 : memref<1x128xi32, #tpu.memory_space<vmem>> -> memref<128xi32, #tpu.memory_space<vmem>>
    %dma_wait3A_186 = arith.constant 0 : i32
    %dma_wait3A_187 = arith.constant 0 : i32
    %dma_wait3A_188 = tpu.memref_slice %arg2[%dma_wait3A_186, %dma_wait3A_187] : memref<8192x256xf32, #tpu.memory_space<hbm>> -> memref<8192x256xf32, #tpu.memory_space<hbm>>
    tpu.wait_indirect_dma semaphore(%arg10 : memref<!tpu.dma_semaphore, #tpu.memory_space<semaphore_mem>>) src(%dma_wait3A_188 : memref<8192x256xf32, #tpu.memory_space<hbm>>) dst(%arg7 : memref<128x256xf32, #tpu.memory_space<vmem>>)
    %mul3A_189 = arith.constant 1024 : i32
    %mul3A_190 = arith.muli %add3A, %mul3A_189 : i32
    %add3A_191 = arith.constant 896 : i32
    %add3A_192 = arith.addi %mul3A_190, %add3A_191 : i32
    %dma_start3A_193 = arith.constant 0 : i32
    %dma_start3A_194 = tpu.memref_slice %arg4[%add3A_192, %dma_start3A_193] : memref<32768x256xf32, #tpu.memory_space<hbm>> -> memref<128x256xf32, #tpu.memory_space<hbm>>
    %dma_start3A_195 = arith.constant 0 : i32
    %dma_start3A_196 = tpu.memref_slice %arg4[%add3A_192, %dma_start3A_195] : memref<32768x256xf32, #tpu.memory_space<hbm>> -> memref<128x256xf32, #tpu.memory_space<hbm>>
    tpu.enqueue_dma source(%arg7 : memref<128x256xf32, #tpu.memory_space<vmem>>) target(%dma_start3A_196 : memref<128x256xf32, #tpu.memory_space<hbm>>) target_semaphore(%arg13 : memref<!tpu.dma_semaphore, #tpu.memory_space<semaphore_mem>>)
    %dma_wait3A_197 = arith.constant 0 : i32
    %dma_wait3A_198 = tpu.memref_slice %arg4[%add3A_177, %dma_wait3A_197] : memref<32768x256xf32, #tpu.memory_space<hbm>> -> memref<128x256xf32, #tpu.memory_space<hbm>>
    %dma_wait3A_199 = arith.constant 0 : i32
    %dma_wait3A_200 = tpu.memref_slice %arg4[%add3A_177, %dma_wait3A_199] : memref<32768x256xf32, #tpu.memory_space<hbm>> -> memref<128x256xf32, #tpu.memory_space<hbm>>
    tpu.wait_dma2 semaphore(%arg12 : memref<!tpu.dma_semaphore, #tpu.memory_space<semaphore_mem>>) src(%arg6 : memref<128x256xf32, #tpu.memory_space<vmem>>) dst(%dma_wait3A_200 : memref<128x256xf32, #tpu.memory_space<hbm>>)
    %dma_wait3A_201 = arith.constant 0 : i32
    %dma_wait3A_202 = tpu.memref_slice %arg4[%add3A_192, %dma_wait3A_201] : memref<32768x256xf32, #tpu.memory_space<hbm>> -> memref<128x256xf32, #tpu.memory_space<hbm>>
    %dma_wait3A_203 = arith.constant 0 : i32
    %dma_wait3A_204 = tpu.memref_slice %arg4[%add3A_192, %dma_wait3A_203] : memref<32768x256xf32, #tpu.memory_space<hbm>> -> memref<128x256xf32, #tpu.memory_space<hbm>>
    tpu.wait_dma2 semaphore(%arg13 : memref<!tpu.dma_semaphore, #tpu.memory_space<semaphore_mem>>) src(%arg7 : memref<128x256xf32, #tpu.memory_space<vmem>>) dst(%dma_wait3A_204 : memref<128x256xf32, #tpu.memory_space<hbm>>)
    %dma_wait3A_205 = arith.constant 0 : i32
    %dma_wait3A_206 = tpu.memref_slice %arg4[%add3A_151, %dma_wait3A_205] : memref<32768x256xf32, #tpu.memory_space<hbm>> -> memref<128x256xf32, #tpu.memory_space<hbm>>
    %dma_wait3A_207 = arith.constant 0 : i32
    %dma_wait3A_208 = tpu.memref_slice %arg4[%add3A_151, %dma_wait3A_207] : memref<32768x256xf32, #tpu.memory_space<hbm>> -> memref<128x256xf32, #tpu.memory_space<hbm>>
    tpu.wait_dma2 semaphore(%arg14 : memref<!tpu.dma_semaphore, #tpu.memory_space<semaphore_mem>>) src(%arg8 : memref<128x256xf32, #tpu.memory_space<vmem>>) dst(%dma_wait3A_208 : memref<128x256xf32, #tpu.memory_space<hbm>>)
    return
  }
}

module attributes {stable_mosaic.version = 14 : i64} {
  func.func @_argmax_body(%arg0: i32, %arg1: memref<512x256xf32, #tpu.memory_space<vmem>>, %arg2: memref<512x1xf32, #tpu.memory_space<vmem>>, %arg3: memref<8192x256xf32, #tpu.memory_space<vmem>>, %arg4: memref<1x8192xf32, #tpu.memory_space<vmem>>, %arg5: memref<512xi32, #tpu.memory_space<vmem>>) attributes {dimension_semantics = [#tpu.dimension_semantics<arbitrary>], iteration_bounds = array<i64: 64>, scalar_prefetch = 0 : i64, scratch_operands = 0 : i64, tpu.core_type = #tpu.core_type<tc>, window_params = [{transform_indices = @transform_0, window_bounds = array<i64: 512, 256>}, {transform_indices = @transform_1, window_bounds = array<i64: 512, 1>}, {pipeline_mode = #tpu.pipeline_mode<synchronous>, transform_indices = @transform_2, window_bounds = array<i64: 8192, 256>}, {pipeline_mode = #tpu.pipeline_mode<synchronous>, transform_indices = @transform_3, window_bounds = array<i64: 1, 8192>}, {transform_indices = @transform_4, window_bounds = array<i64: 512>}]} {
    %get3A = arith.constant 0 : index
    %get3A_0 = arith.constant 0 : index
    %get3A_1 = vector.load %arg1[%get3A, %get3A_0] : memref<512x256xf32, #tpu.memory_space<vmem>>, vector<512x256xf32>
    %get3A_2 = arith.constant 0 : index
    %get3A_3 = arith.constant 0 : index
    %get3A_4 = vector.load %arg3[%get3A_2, %get3A_3] : memref<8192x256xf32, #tpu.memory_space<vmem>>, vector<8192x256xf32>
    %dot_general3A = arith.constant dense<0.000000e+00> : vector<512x8192xf32>
    %dot_general3A_5 = tpu.matmul %get3A_1, %get3A_4, %dot_general3A {dimension_numbers = #tpu.dot_dimension_numbers<[1], [1], [0], [0], [0, 0, 1, 0], [], []>, transpose_lhs_hint = false} : vector<512x256xf32>, vector<8192x256xf32>, vector<512x8192xf32> -> vector<512x8192xf32>
    %get3A_6 = arith.constant 0 : index
    %get3A_7 = arith.constant 0 : index
    %get3A_8 = vector.load %arg2[%get3A_6, %get3A_7] : memref<512x1xf32, #tpu.memory_space<vmem>>, vector<512x1xf32>
    %sub3A = vector.broadcast %get3A_8 : vector<512x1xf32> to vector<512x8192xf32>
    %sub3A_9 = arith.subf %sub3A, %dot_general3A_5 : vector<512x8192xf32>
    %get3A_10 = arith.constant 0 : index
    %get3A_11 = arith.constant 0 : index
    %get3A_12 = vector.load %arg4[%get3A_10, %get3A_11] : memref<1x8192xf32, #tpu.memory_space<vmem>>, vector<1x8192xf32>
    %add3A = vector.broadcast %get3A_12 : vector<1x8192xf32> to vector<512x8192xf32>
    %add3A_13 = arith.addf %sub3A_9, %add3A : vector<512x8192xf32>
    %argmin3A = tpu.reduce_index %add3A_13 {axis = 1 : i32, kind = #tpu.reduction_kind<arg_min>} : vector<512x8192xf32> -> vector<512xi32>
    %swap3A = arith.constant 0 : index
    %swap3A_14 = vector.load %arg5[%swap3A] : memref<512xi32, #tpu.memory_space<vmem>>, vector<512xi32>
    tpu.vector_store %arg5[%swap3A], %argmin3A {strides = array<i32>} : memref<512xi32, #tpu.memory_space<vmem>>, vector<512xi32>,
    return
  }
  func.func @transform_0(%arg0: i32) -> (i32, i32) {
    %c0_i32 = arith.constant 0 : i32
    %c0_i32_0 = arith.constant 0 : i32
    return %arg0, %c0_i32 : i32, i32
  }
  func.func @transform_1(%arg0: i32) -> (i32, i32) {
    %c0_i32 = arith.constant 0 : i32
    %c0_i32_0 = arith.constant 0 : i32
    return %arg0, %c0_i32 : i32, i32
  }
  func.func @transform_2(%arg0: i32) -> (i32, i32) {
    %c0_i32 = arith.constant 0 : i32
    %c0_i32_0 = arith.constant 0 : i32
    %c0_i32_1 = arith.constant 0 : i32
    return %c0_i32, %c0_i32_0 : i32, i32
  }
  func.func @transform_3(%arg0: i32) -> (i32, i32) {
    %c0_i32 = arith.constant 0 : i32
    %c0_i32_0 = arith.constant 0 : i32
    %c0_i32_1 = arith.constant 0 : i32
    return %c0_i32, %c0_i32_0 : i32, i32
  }
  func.func @transform_4(%arg0: i32) -> i32 {
    %c0_i32 = arith.constant 0 : i32
    return %arg0 : i32
  }
}

</mosaic_0001>

<sc_bundles>
// kernel: kernel.4.cloned.1.call-start
scs
__scs_entry_jumppad:
0x0: {  	(pc) =	sbr.rel $0x88, $3  }
0x1: {  	(tag) =	ssettag $0x0;
	lr =	simm.s32 $0x1  }
0x2: {  	[smem:$0x3F9F] =	sst lr;
	_ =	strace $0xD0000000  }
0x3: {  	_ = 	snop  }
0x4: {  	_ = 	snop  }
0x5: {  	_ = 	snop  }
0x6: {  	_ = 	snop  }
0x7: {  	_ = 	snop  }
__scs_overlays_trampoline_lowered:
0x8: {  	[smem:$0x3FAE] =	sst s0  }
0x9: {  	[smem:$0x3FAF] =	sst s1  }
0xa: {  	[smem:$0x3FB0] =	sst s2  }
0xb: {  	[smem:$0x3FB1] =	sst s3  }
0xc: {  	[smem:$0x3FB2] =	sst s4  }
0xd: {  	[smem:$0x3FB3] =	sst s5  }
0xe: {  	[smem:$0x3FB4] =	sst s6  }
0xf: {  	[smem:$0x3FB5] =	sst s7  }
0x10: {  	[smem:$0x3FB6] =	sst s8  }
0x11: {  	[smem:$0x3FB7] =	sst s9;
	s0 =	simm.s32 @!p0 $0x0  }
0x12: {  	s1 =	sld [smem:$0x3F9D];
	s0 =	simm.s32 @p0 $0x1  }
0x13: {  	[smem:$0x3FB8] =	sst s0;
	s0 =	simm.s32 @!p1 $0x0  }
0x14: {  	s2 =	sld [smem:$0x3F9C];
	s0 =	simm.s32 @p1 $0x1  }
0x15: {  	[smem:$0x3FB9] =	sst s0;
	s0 =	simm.s32 @!p2 $0x0  }
0x16: {  	s3 =	sld [smem:$0x3FDB];
	s0 =	simm.s32 @p2 $0x1  }
0x17: {  	s4 =	simm.s32 $0x1BF5;
	[smem:$0x3FBB] =	sst s0  }
0x18: {  	s0 =	sld [smem:$0x3F9E];
	_ =	swait.ge [sflag:s4], $0x0  }
0x19: {  	s7 =	sld [smem:$0x3F9F]  }
0x1a: {  	s8 =	sadd.s32 $0xFFFFE003, lr  }
0x1b: {  	s9 =	sadd.s32 $0xFFFFFEF7, lr;
	s5 =	simm.s32 $0xFFFFFFFF;
	p2 =	slt.u32 s8, $0xFFFFF086  }
0x1c: {  	p1 =	slt.u32 s9, $0xF7A;
	s5 =	simm.s32 @!p2 $0x0  }
0x1d: {  	s5 =	simm.s32 @p1 $0x1;
	p0 =	seq.s32 s7, s2  }
0x1e: {  	s7 =	smul.u32 @!p0 $0xF7A, s2;
	p2 =	seq.s32 @!p0 s5, $0x0  }
0x1f: {  	s9 =	smul.u32 $0xF7A, s1;
	s8 =	simm.s32 @!p0 $0x1BF5;
	p2 =	por !p2, p0  }
0x20: {  	[sflag:s8] =	ssyncset.s32 @!p0 $0xFFFFF086;
	s6 =	sadd.s32 @!p0 s3, s7;
	s7 =	simm.s32 @!p0 $0x108  }
0x21: {  	s3 =	sadd.s32 s3, s9;
	s6 =	sadd.s32 @!p0 $0x88, s6;
	s7 =	simm.s32 @p2 $0x1082  }
0x22: {  	[simem:s7], [sflag:s8] =	dma.local @!p0 [hbm:s6], $0xF7A  }
0x23: {  	s9 =	sor.u32 $0xD0000000, s2;
	s6 =	simm.s32 $0x108;
	_ =	swait.ge @!p0 [sflag:s8], $0x0  }
0x24: {  	s3 =	sadd.s32 $0x88, s3;
	s6 =	simm.s32 @!p1 $0x1082;
	[sflag:s4] =	ssyncset.s32 $0xFFFFF086  }
0x25: {  	[simem:s6], [sflag:s4] =	dma.local [hbm:s3], $0xF7A  }
0x26: {  	[smem:$0x3F9F] =	sst s1;
	(tag) =	ssettag s2;
	_ =	strace s9  }
0x27: {  	s1 =	sld [smem:$0x3FAF]  }
0x28: {  	s2 =	sld [smem:$0x3FB0]  }
0x29: {  	s4 =	sld [smem:$0x3FB2]  }
0x2a: {  	p0 =	seq.s32 s5, $0x0;
	s5 =	sld [smem:$0x3FB3]  }
0x2b: {  	s6 =	sld [smem:$0x3FB4]  }
0x2c: {  	s7 =	sld [smem:$0x3FB5]  }
0x2d: {  	s3 =	simm.s32 $0x108;
	s8 =	sld [smem:$0x3FB6]  }
0x2e: {  	s3 =	simm.s32 @!p0 $0x1082;
	s9 =	sld [smem:$0x3FB7]  }
0x2f: {  	lr =	sadd.s32 s0, s3;
	s0 =	sld [smem:$0x3FAE]  }
0x30: {  	s3 =	sld [smem:$0x3FB1]  }
0x31: {  	[smem:$0x3FBA] =	sst s10  }
0x32: {  	s10 =	sld [smem:$0x3FB8];
	_ =	sdelay $0x3  }
0x33: {  	p0 =	seq.s32 s10, $0x1;
	s10 =	sld [smem:$0x3FBA];
	_ =	sdelay $0x3  }
0x34: {  	[smem:$0x3FBA] =	sst s10  }
0x35: {  	s10 =	sld [smem:$0x3FB9];
	_ =	sdelay $0x3  }
0x36: {  	p1 =	seq.s32 s10, $0x1;
	s10 =	sld [smem:$0x3FBA];
	_ =	sdelay $0x3  }
0x37: {  	[smem:$0x3FBA] =	sst s10  }
0x38: {  	s10 =	sld [smem:$0x3FBB]  }
0x39: {  	_ = 	snop;
	(pc) =	sbr.ind lr, $3  }
0x3a: {  	_ = 	snop  }
0x3b: {  	_ = 	snop  }
0x3c: {  	p2 =	seq.s32 s10, $0x1;
	s10 =	sld [smem:$0x3FBA]  }
0x3d: {  	_ =	shalt  }
0x3e: {  	_ =	shalt  }
0x3f: {  	_ =	shalt  }
0x40: {  	_ =	shalt  }
0x41: {  	_ =	shalt  }
0x42: {  	_ =	shalt  }
0x43: {  	_ =	shalt  }
0x44: {  	_ =	shalt  }
0x45: {  	_ =	shalt  }
0x46: {  	_ =	shalt  }
0x47: {  	_ =	shalt  }
0x48: {  	_ =	shalt  }
0x49: {  	_ =	shalt  }
0x4a: {  	_ =	shalt  }
0x4b: {  	_ =	shalt  }
0x4c: {  	_ =	shalt  }
0x4d: {  	_ =	shalt  }
0x4e: {  	_ =	shalt  }
0x4f: {  	_ =	shalt  }
0x50: {  	_ =	shalt  }
0x51: {  	_ =	shalt  }
0x52: {  	_ =	shalt  }
0x53: {  	_ =	shalt  }
0x54: {  	_ =	shalt  }
0x55: {  	_ =	shalt  }
0x56: {  	_ =	shalt  }
0x57: {  	_ =	shalt  }
0x58: {  	_ =	shalt  }
0x59: {  	_ =	shalt  }
0x5a: {  	_ =	shalt  }
0x5b: {  	_ =	shalt  }
0x5c: {  	_ =	shalt  }
0x5d: {  	_ =	shalt  }
0x5e: {  	_ =	shalt  }
0x5f: {  	_ =	shalt  }
0x60: {  	_ =	shalt  }
0x61: {  	_ =	shalt  }
0x62: {  	_ =	shalt  }
0x63: {  	_ =	shalt  }
0x64: {  	_ =	shalt  }
0x65: {  	_ =	shalt  }
0x66: {  	_ =	shalt  }
0x67: {  	_ =	shalt  }
0x68: {  	_ =	shalt  }
0x69: {  	_ =	shalt  }
0x6a: {  	_ =	shalt  }
0x6b: {  	_ =	shalt  }
0x6c: {  	_ =	shalt  }
0x6d: {  	_ =	shalt  }
0x6e: {  	_ =	shalt  }
0x6f: {  	_ =	shalt  }
0x70: {  	_ =	shalt  }
0x71: {  	_ =	shalt  }
0x72: {  	_ =	shalt  }
0x73: {  	_ =	shalt  }
0x74: {  	_ =	shalt  }
0x75: {  	_ =	shalt  }
0x76: {  	_ =	shalt  }
0x77: {  	_ =	shalt  }
0x78: {  	_ =	shalt  }
0x79: {  	_ =	shalt  }
0x7a: {  	_ =	shalt  }
0x7b: {  	_ =	shalt  }
0x7c: {  	_ =	shalt  }
0x7d: {  	_ =	shalt  }
0x7e: {  	_ =	shalt  }
0x7f: {  	_ =	shalt  }
0x80: {  	_ =	shalt  }
0x81: {  	_ =	shalt  }
0x82: {  	_ =	shalt  }
0x83: {  	_ =	shalt  }
0x84: {  	_ =	shalt  }
0x85: {  	_ =	shalt  }
0x86: {  	_ =	shalt  }
0x87: {  	_ =	shalt  }
.Lfunc_end0:
.L_simem_size_0:
called_computation_lowered:
.L_overlay_start_0:
0x88: {  	s2 =	sld [smem:$0x3FD9]  }
0x89: {  	s3 =	sld [smem:$0x3FFE];
	_ =	sdelay $0x1  }
0x8a: {  	s1 =	srdreg.scid  }
0x8b: {  	s0 =	sand.u32 $0x1, s1  }
0x8c: {  	s17 =	sshll.u32 s0, $0xA;
	s2 =	sadd.s32 s3, s2  }
0x8d: {  	s2 =	sadd.s32 s2, s17  }
0x8e: {  	[smem:$0x3FC6] =	sst s2  }
0x8f: {  	_ = 	snop  }
0x90: {  	s2 =	sld [smem:$0x3FC8]  }
0x91: {  	s18 =	sld [smem:$0x3FD0];
	(tm) =	ssettm $0x1  }
0x92: {  	s4 =	sld [smem:$0x3FFB];
	_ =	sdelay $0x3  }
0x93: {  	_ =	strace s4  }
0x94: {  	s4 =	sld [smem:$0x3FFC];
	_ =	sdelay $0x3  }
0x95: {  	_ =	strace s4  }
0x96: {  	s4 =	sld [smem:$0x3FFD];
	_ =	sdelay $0x3  }
0x97: {  	_ =	strace s4  }
0x98: {  	_ =	strace $0x8FFFFFFF  }
0x99: {  	s19 =	sld [smem:$0x3FDB];
	_ =	sdelay $0x1  }
0x9a: {  	s5 =	simm.s32 $_scs_section_size  }
0x9b: {  	s6 =	simm.s32 $_size__tile_overlayer_lowered;
	s7 =	simm.s32 $_tile_overlayer_lowered  }
0x9c: {  	s22 =	simm.s32 $0x1BFF;
	s21 =	sshll.u32 s7, $0x1;
	s4 =	sadd.s32 s5, s19  }
0x9d: {  	s8 =	simm.s32 $0x0;
	s20 =	sshll.u32 s6, $0x1;
	s6 =	sadd.s32 s21, s4  }
0x9e: {  	[timem:s8], [sflag:s22] =	dma.local [hbm:s6], s20  }
0x9f: {  	_ =	swait.ge [sflag:s22], s20  }
0xa0: {  	s5 =	ssub.s32 $0x0, s20;
	[sflag:s22] =	ssyncset.done $0x0  }
0xa1: {  	[sflag:s22] =	ssyncadd.s32 s5;
	_ =	sdelay $0x1  }
0xa2: {  	s23 =	simm.s32 $0x1B8B  }
0xa3: {  	_ =	swait.ge [sflag:s23], $0x1  }
0xa4: {  	[sflag:s23] =	ssyncset.done $0x0  }
0xa5: {  	s25 =	simm.s32 $0x1B8E;
	s24 =	sld [smem:$0x3FFE];
	[sflag:s23] =	ssyncadd.s32 $0xFFFFFFFF  }
0xa6: {  	s26 =	simm.s32 $execute0_lowered;
	[smem:$0x3FD2] =	sst s25  }
0xa7: {  	s6 =	sshll.u32 s26, $0x1;
	_ =	strace $0x80000046;
	[dreg:$0x1] =	wrdreg $0xFFFFFFFF  }
0xa8: {  	s28 =	simm.s32 $_size_execute0_lowered;
	s4 =	sadd.s32 s4, s6;
	[dreg:$0x0] =	wrdreg $0x0  }
0xa9: {  	s6 =	sshll.u32 s28, $0x1;
	[dreg:$0x2] =	wrdreg s4  }
0xaa: {  	[dreg:$0x3] =	wrdreg s6  }
0xab: {  	[dreg:$0x4] =	wrdreg $0xC0  }
0xac: {  	_ =	task [dreg:s8], $0x5FFFF  }
0xad: {  	[dreg:$0x1] =	wrdreg $0xFFFFFFFF  }
0xae: {  	[dreg:$0x0] =	wrdreg $0x60  }
0xaf: {  	[dreg:$0x2] =	wrdreg s2  }
0xb0: {  	[dreg:$0x3] =	wrdreg s24  }
0xb1: {  	[dreg:$0x4] =	wrdreg s18  }
0xb2: {  	[dreg:$0x5] =	wrdreg $0x9  }
0xb3: {  	_ =	task.clear_ibuf [dreg:s8], $0x6FFFF;
	_ =	strace $0x90000046  }
0xb4: {  	s29 =	simm.s32 $0x9;
	_ =	strace $0x80000048  }
0xb5: {  	_ =	swait.ge [sflag:s29], $0x1  }
0xb6: {  	[sflag:s29] =	ssyncadd.s32 $0xFFFFFFFF  }
0xb7: {  	_ =	strace $0x90000048  }
0xb8: {  	_ =	sfence  }
0xb9: {  	s30 =	sld [smem:$0x0];
	_ =	sdelay $0x2  }
0xba: {  	s31 =	sshll.u32 s1, $0xD;
	s1 =	sshrl.u32 s1, $0x2  }
0xbb: {  	s3 =	sand.u32 $0x4000, s31;
	s1 =	sadd.s32 s1, s30  }
0xbc: {  	s0 =	sor.u32 s3, s0;
	s1 =	sshll.u32 s1, $0x11  }
0xbd: {  	s0 =	sor.u32 s1, s0  }
0xbe: {  	s0 =	sadd.s32 $0x8F2B, s0  }
0xbf: {  	[sflag:s0] =	ssyncadd.remote.s32 $0x1  }
0xc0: {  	_ =	sfence.sel $0xFFFF  }
0xc1: {  	[dreg:$0x0] =	wrdreg $0xFFFFFFFF;
	(pc) =	sbr.abs _section_cstart, $3  }
0xc2: {  	[dreg:$0x1] =	wrdreg $0xFFFFFFFF  }
0xc3: {  	_ =	task.clear_ibuf [dreg:s8], $0x2FFFF;
	_ =	strace $0x9FFFFFFF  }
0xc4: {  	(tm) =	ssettm $0x7FFFFFFF  }
0xc5: {  	_ =	shalt  }
tec
execute0_lowered:
.L_overlay_start_1:
0x0: {  	(tag) =	ssettag $0x1  }
0x1: {  	s1 =	rddreg [dreg:$0x0]  }
0x2: {  	s0 =	rddreg [dreg:$0x1];
	s2 =	srdreg.scid  }
0x3: {  	s3 =	stileid.u32;
	s4 =	rddreg [dreg:$0x2];
	s28 =	simm.s32 $0x400  }
0x4: {  	s12 =	simm.s32 $0x1;
	s14 =	simm.s32 $0x2;
	s15 =	simm.s32 $0x4  }
0x5: {  	s16 =	simm.s32 $0x3;
	s17 =	simm.s32 $0x5;
	s18 =	simm.s32 $0x6  }
0x6: {  	s29 =	simm.s32 $0x4400;
	s30 =	simm.s32 $0x4C00;
	s31 =	simm.s32 $0x5400  }
0x7: {  	s7 =	simm.s32 $0x12400;
	s2 =	sand.u32 $0x1, s2;
	s5 =	sshll.u32 s3, $0x1  }
0x8: {  	s8 =	simm.s32 $0x12C00;
	s9 =	simm.s32 $0x13400;
	s5 =	sor.u32 s2, s5  }
0x9: {  	s10 =	simm.s32 $0x13C00;
	s3 =	simm.s32 $0x0;
	s6 =	sshll.u32 s5, $0x7  }
0xa: {  	[smem:$0x7FF] =	sst s3;
	s5 =	sshll.u32 s5, $0xF;
	s0 =	sadd.s32 s0, s6  }
0xb: {  	_ =	strace $0x80000047;
	s5 =	sadd.s32 s4, s5;
	[dreg:$0x4] =	wrdreg s0  }
0xc: {  	s11 =	simm.s32 $0x14400;
	s19 =	sadd.s32 $0x1000, s5;
	[dreg:$0xc] =	wrdreg s5  }
0xd: {  	s13 =	simm.s32 $0x14C00;
	s20 =	sadd.s32 $0x2000, s5;
	[dreg:$0x5] =	wrdreg s19  }
0xe: {  	s2 =	ssub.s32 $0x2, s2;
	s21 =	sadd.s32 $0x3000, s5;
	[dreg:$0x6] =	wrdreg s20  }
0xf: {  	s24 =	sshrl.u32 s2, $0x1;
	s22 =	sadd.s32 $0x4000, s5;
	[dreg:$0x7] =	wrdreg s21  }
0x10: {  	s2 =	ssub.s32 s2, s24;
	s23 =	sadd.s32 $0x5000, s5;
	[dreg:$0x8] =	wrdreg s22  }
0x11: {  	s4 =	simm.s32 $0x11400;
	s25 =	sadd.s32 $0x6000, s5;
	[dreg:$0x9] =	wrdreg s23  }
0x12: {  	s6 =	simm.s32 $0x11C00;
	s26 =	sadd.s32 $0x7000, s5;
	[dreg:$0xa] =	wrdreg s25  }
0x13: {  	v2 =	vlaneseq.u32;
	s24 =	simm.s32 $0x16C00;
	s5 =	smax.u32 s2, $0x1;
	[dreg:$0xb] =	wrdreg s26  }
0x14: {  	vm0 =	vmmov $0xffff;
	v1 =	vshrl.u32 v2, $0x3;
	s23 =	simm.s32 $0x8400;
	s20 =	simm.s32 $0x15400;
	s21 =	simm.s32 $0x15C00  }
0x15: {  	v0 =	vand.u32 $0x7, v2;
	v2 =	vor.u32 $0x8, v2;
	v1 =	vmul.u32 $0x8, v1;
	s22 =	simm.s32 $0x16400;
	s25 =	simm.s32 $0x17400;
	s26 =	simm.s32 $0x17C00  }
.LBB2_1:
0x16: {  	s19 =	rddreg [dreg:$0x4];
	s0 =	simm.s32 $0x7  }
0x17: {  	[tilespmem:s3], [sflag:$0x7] =	stream.linear.gather [hbm4b:s19+s3], $0x400, $0x38;
	[tilespmem:$0x18400] =	vst v63  }
0x18: {  	_ =	swait.ge [sflag:s0], $0x400  }
0x19: {  	[sflag:s0] =	ssyncset.done $0x0  }
0x1a: {  	[sflag:s0] =	ssyncadd.s32 $0xFFFFFC00  }
0x1b: {  	v3 =	vld [tilespmem:$0x0];
	_ =	sdelay $0x4  }
0x1c: {  	v4 =	vshll.u32 v3, $0x1  }
0x1d: {  	v3 =	vand.u32 $0x7, v3;
	v4 =	vand.u32 $0xFFFFFFF0, v4  }
0x1e: {  	v3 =	vor.u32 v3, v4  }
0x1f: {  	v4 =	vperm.xlane v3, v0;
	_ =	sdelay $0x1  }
0x20: {  	v3 =	vperm.xlane v3, v2;
	v4 =	vadd.s32 v1, v4;
	_ =	sdelay $0x1  }
0x21: {  	v3 =	vadd.s32 v1, v3;
	_ =	sdelay $0x2  }
0x22: {  	[tilespmem:s28], [sflag:$0x1] =	stream.indirect_vreg.gather [hbm4b:s1+s3], $0x80, v4, vm0, $0xb8;
	[tilespmem:$0x18400] =	vst v63  }
0x23: {  	s0 =	simm.s32 $0xC00  }
0x24: {  	[tilespmem:s0], [sflag:$0x1] =	stream.indirect_vreg.gather [hbm4b:s1+s3], $0x80, v3, vm0, $0xb8;
	[tilespmem:$0x18400] =	vst v63  }
0x25: {  	v3 =	vld [tilespmem:$0x10];
	_ =	sdelay $0x4  }
0x26: {  	v57 =	vshll.u32 v3, $0x1  }
0x27: {  	v3 =	vand.u32 $0x7, v3;
	v4 =	vand.u32 $0xFFFFFFF0, v57  }
0x28: {  	v3 =	vor.u32 v3, v4  }
0x29: {  	v4 =	vperm.xlane v3, v0;
	_ =	sdelay $0x1  }
0x2a: {  	v3 =	vperm.xlane v3, v2;
	v4 =	vadd.s32 v1, v4;
	_ =	sdelay $0x1  }
0x2b: {  	v3 =	vadd.s32 v1, v3;
	_ =	sdelay $0x1  }
0x2c: {  	s2 =	simm.s32 $0x1400  }
0x2d: {  	[tilespmem:s2], [sflag:$0x1] =	stream.indirect_vreg.gather [hbm4b:s1+s3], $0x80, v4, vm0, $0xb8;
	[tilespmem:$0x18400] =	vst v63  }
0x2e: {  	s19 =	simm.s32 $0x1C00  }
0x2f: {  	[tilespmem:s19], [sflag:$0x1] =	stream.indirect_vreg.gather [hbm4b:s1+s3], $0x80, v3, vm0, $0xb8;
	[tilespmem:$0x18400] =	vst v63  }
0x30: {  	v3 =	vld [tilespmem:$0x20];
	_ =	sdelay $0x4  }
0x31: {  	v58 =	vshll.u32 v3, $0x1  }
0x32: {  	v3 =	vand.u32 $0x7, v3;
	v4 =	vand.u32 $0xFFFFFFF0, v58  }
0x33: {  	v3 =	vor.u32 v3, v4  }
0x34: {  	v4 =	vperm.xlane v3, v0;
	_ =	sdelay $0x1  }
0x35: {  	v3 =	vperm.xlane v3, v2;
	v4 =	vadd.s32 v1, v4;
	_ =	sdelay $0x1  }
0x36: {  	v3 =	vadd.s32 v1, v3;
	_ =	sdelay $0x1  }
0x37: {  	s2 =	simm.s32 $0x2400  }
0x38: {  	[tilespmem:s2], [sflag:$0x1] =	stream.indirect_vreg.gather [hbm4b:s1+s3], $0x80, v4, vm0, $0xb8;
	[tilespmem:$0x18400] =	vst v63  }
0x39: {  	s19 =	simm.s32 $0x2C00  }
0x3a: {  	[tilespmem:s19], [sflag:$0x1] =	stream.indirect_vreg.gather [hbm4b:s1+s3], $0x80, v3, vm0, $0xb8;
	[tilespmem:$0x18400] =	vst v63  }
0x3b: {  	v3 =	vld [tilespmem:$0x30];
	_ =	sdelay $0x4  }
0x3c: {  	v59 =	vshll.u32 v3, $0x1  }
0x3d: {  	v3 =	vand.u32 $0x7, v3;
	v4 =	vand.u32 $0xFFFFFFF0, v59  }
0x3e: {  	v3 =	vor.u32 v3, v4  }
0x3f: {  	v4 =	vperm.xlane v3, v0;
	_ =	sdelay $0x1  }
0x40: {  	v3 =	vperm.xlane v3, v2;
	v4 =	vadd.s32 v1, v4;
	_ =	sdelay $0x1  }
0x41: {  	v3 =	vadd.s32 v1, v3;
	_ =	sdelay $0x1  }
0x42: {  	s2 =	simm.s32 $0x3400  }
0x43: {  	[tilespmem:s2], [sflag:$0x1] =	stream.indirect_vreg.gather [hbm4b:s1+s3], $0x80, v4, vm0, $0xb8;
	[tilespmem:$0x18400] =	vst v63  }
0x44: {  	s19 =	simm.s32 $0x3C00  }
0x45: {  	[tilespmem:s19], [sflag:$0x1] =	stream.indirect_vreg.gather [hbm4b:s1+s3], $0x80, v3, vm0, $0xb8;
	[tilespmem:$0x18400] =	vst v63  }
0x46: {  	v3 =	vld [tilespmem:$0x40];
	_ =	sdelay $0x4  }
0x47: {  	v60 =	vshll.u32 v3, $0x1  }
0x48: {  	v3 =	vand.u32 $0x7, v3;
	v4 =	vand.u32 $0xFFFFFFF0, v60  }
0x49: {  	v3 =	vor.u32 v3, v4  }
0x4a: {  	v4 =	vperm.xlane v3, v0;
	_ =	sdelay $0x1  }
0x4b: {  	v3 =	vperm.xlane v3, v2;
	v4 =	vadd.s32 v1, v4;
	_ =	sdelay $0x1  }
0x4c: {  	v3 =	vadd.s32 v1, v3;
	_ =	sdelay $0x2  }
0x4d: {  	[tilespmem:s29], [sflag:$0x1] =	stream.indirect_vreg.gather [hbm4b:s1+s3], $0x80, v4, vm0, $0xb8;
	[tilespmem:$0x18400] =	vst v63  }
0x4e: {  	_ = 	snop  }
0x4f: {  	[tilespmem:s30], [sflag:$0x1] =	stream.indirect_vreg.gather [hbm4b:s1+s3], $0x80, v3, vm0, $0xb8;
	[tilespmem:$0x18400] =	vst v63  }
0x50: {  	v3 =	vld [tilespmem:$0x50];
	_ =	sdelay $0x4  }
0x51: {  	v61 =	vshll.u32 v3, $0x1  }
0x52: {  	v3 =	vand.u32 $0x7, v3;
	v4 =	vand.u32 $0xFFFFFFF0, v61  }
0x53: {  	v3 =	vor.u32 v3, v4  }
0x54: {  	v4 =	vperm.xlane v3, v0;
	_ =	sdelay $0x1  }
0x55: {  	v3 =	vperm.xlane v3, v2;
	v4 =	vadd.s32 v1, v4;
	_ =	sdelay $0x1  }
0x56: {  	v3 =	vadd.s32 v1, v3;
	_ =	sdelay $0x2  }
0x57: {  	[tilespmem:s31], [sflag:$0x1] =	stream.indirect_vreg.gather [hbm4b:s1+s3], $0x80, v4, vm0, $0xb8;
	[tilespmem:$0x18400] =	vst v63  }
0x58: {  	s2 =	simm.s32 $0x5C00  }
0x59: {  	[tilespmem:s2], [sflag:$0x1] =	stream.indirect_vreg.gather [hbm4b:s1+s3], $0x80, v3, vm0, $0xb8;
	[tilespmem:$0x18400] =	vst v63  }
0x5a: {  	v3 =	vld [tilespmem:$0x60];
	_ =	sdelay $0x4  }
0x5b: {  	v62 =	vshll.u32 v3, $0x1  }
0x5c: {  	v3 =	vand.u32 $0x7, v3;
	v4 =	vand.u32 $0xFFFFFFF0, v62  }
0x5d: {  	v3 =	vor.u32 v3, v4  }
0x5e: {  	v4 =	vperm.xlane v3, v0;
	_ =	sdelay $0x1  }
0x5f: {  	v3 =	vperm.xlane v3, v2;
	v4 =	vadd.s32 v1, v4;
	_ =	sdelay $0x1  }
0x60: {  	v3 =	vadd.s32 v1, v3;
	_ =	sdelay $0x1  }
0x61: {  	s19 =	simm.s32 $0x6400  }
0x62: {  	[tilespmem:s19], [sflag:$0x1] =	stream.indirect_vreg.gather [hbm4b:s1+s3], $0x80, v4, vm0, $0xb8;
	[tilespmem:$0x18400] =	vst v63  }
0x63: {  	s2 =	simm.s32 $0x6C00  }
0x64: {  	[tilespmem:s2], [sflag:$0x1] =	stream.indirect_vreg.gather [hbm4b:s1+s3], $0x80, v3, vm0, $0xb8;
	[tilespmem:$0x18400] =	vst v63  }
0x65: {  	v3 =	vld [tilespmem:$0x70];
	_ =	sdelay $0x4  }
0x66: {  	v63 =	vshll.u32 v3, $0x1  }
0x67: {  	v3 =	vand.u32 $0x7, v3;
	v4 =	vand.u32 $0xFFFFFFF0, v63  }
0x68: {  	v3 =	vor.u32 v3, v4  }
0x69: {  	v4 =	vperm.xlane v3, v0;
	_ =	sdelay $0x1  }
0x6a: {  	v3 =	vperm.xlane v3, v2;
	v4 =	vadd.s32 v1, v4;
	_ =	sdelay $0x1  }
0x6b: {  	v3 =	vadd.s32 v1, v3;
	_ =	sdelay $0x1  }
0x6c: {  	s19 =	simm.s32 $0x7400  }
0x6d: {  	[tilespmem:s19], [sflag:$0x1] =	stream.indirect_vreg.gather [hbm4b:s1+s3], $0x80, v4, vm0, $0xb8;
	[tilespmem:$0x18400] =	vst v63  }
0x6e: {  	s2 =	simm.s32 $0x7C00  }
0x6f: {  	[tilespmem:s2], [sflag:$0x1] =	stream.indirect_vreg.gather [hbm4b:s1+s3], $0x80, v3, vm0, $0xb8;
	[tilespmem:$0x18400] =	vst v63  }
0x70: {  	v3 =	vld [tilespmem:$0x80];
	_ =	sdelay $0x4  }
0x71: {  	v8 =	vshll.u32 v3, $0x1  }
0x72: {  	v3 =	vand.u32 $0x7, v3;
	v4 =	vand.u32 $0xFFFFFFF0, v8  }
0x73: {  	v3 =	vor.u32 v3, v4  }
0x74: {  	v4 =	vperm.xlane v3, v0;
	_ =	sdelay $0x1  }
0x75: {  	v3 =	vperm.xlane v3, v2;
	v4 =	vadd.s32 v1, v4;
	_ =	sdelay $0x1  }
0x76: {  	v3 =	vadd.s32 v1, v3;
	_ =	sdelay $0x2  }
0x77: {  	[tilespmem:s23], [sflag:$0x2] =	stream.indirect_vreg.gather [hbm4b:s1+s3], $0x80, v4, vm0, $0xb8;
	[tilespmem:$0x18400] =	vst v63  }
0x78: {  	s19 =	simm.s32 $0x8C00  }
0x79: {  	[tilespmem:s19], [sflag:$0x2] =	stream.indirect_vreg.gather [hbm4b:s1+s3], $0x80, v3, vm0, $0xb8;
	[tilespmem:$0x18400] =	vst v63  }
0x7a: {  	v3 =	vld [tilespmem:$0x90];
	_ =	sdelay $0x4  }
0x7b: {  	v9 =	vshll.u32 v3, $0x1  }
0x7c: {  	v3 =	vand.u32 $0x7, v3;
	v4 =	vand.u32 $0xFFFFFFF0, v9  }
0x7d: {  	v3 =	vor.u32 v3, v4  }
0x7e: {  	v4 =	vperm.xlane v3, v0;
	_ =	sdelay $0x1  }
0x7f: {  	v3 =	vperm.xlane v3, v2;
	v4 =	vadd.s32 v1, v4;
	_ =	sdelay $0x1  }
0x80: {  	v3 =	vadd.s32 v1, v3;
	_ =	sdelay $0x1  }
0x81: {  	s2 =	simm.s32 $0x9400  }
0x82: {  	[tilespmem:s2], [sflag:$0x2] =	stream.indirect_vreg.gather [hbm4b:s1+s3], $0x80, v4, vm0, $0xb8;
	[tilespmem:$0x18400] =	vst v63  }
0x83: {  	s19 =	simm.s32 $0x9C00  }
0x84: {  	[tilespmem:s19], [sflag:$0x2] =	stream.indirect_vreg.gather [hbm4b:s1+s3], $0x80, v3, vm0, $0xb8;
	[tilespmem:$0x18400] =	vst v63  }
0x85: {  	v3 =	vld [tilespmem:$0xA0];
	_ =	sdelay $0x4  }
0x86: {  	v10 =	vshll.u32 v3, $0x1  }
0x87: {  	v3 =	vand.u32 $0x7, v3;
	v4 =	vand.u32 $0xFFFFFFF0, v10  }
0x88: {  	v3 =	vor.u32 v3, v4  }
0x89: {  	v4 =	vperm.xlane v3, v0;
	_ =	sdelay $0x1  }
0x8a: {  	v3 =	vperm.xlane v3, v2;
	v4 =	vadd.s32 v1, v4;
	_ =	sdelay $0x1  }
0x8b: {  	v3 =	vadd.s32 v1, v3;
	_ =	sdelay $0x1  }
0x8c: {  	s2 =	simm.s32 $0xA400  }
0x8d: {  	[tilespmem:s2], [sflag:$0x2] =	stream.indirect_vreg.gather [hbm4b:s1+s3], $0x80, v4, vm0, $0xb8;
	[tilespmem:$0x18400] =	vst v63  }
0x8e: {  	s19 =	simm.s32 $0xAC00  }
0x8f: {  	[tilespmem:s19], [sflag:$0x2] =	stream.indirect_vreg.gather [hbm4b:s1+s3], $0x80, v3, vm0, $0xb8;
	[tilespmem:$0x18400] =	vst v63  }
0x90: {  	v3 =	vld [tilespmem:$0xB0];
	_ =	sdelay $0x4  }
0x91: {  	v11 =	vshll.u32 v3, $0x1  }
0x92: {  	v3 =	vand.u32 $0x7, v3;
	v4 =	vand.u32 $0xFFFFFFF0, v11  }
0x93: {  	v3 =	vor.u32 v3, v4  }
0x94: {  	v4 =	vperm.xlane v3, v0;
	_ =	sdelay $0x1  }
0x95: {  	v3 =	vperm.xlane v3, v2;
	v4 =	vadd.s32 v1, v4;
	_ =	sdelay $0x1  }
0x96: {  	v3 =	vadd.s32 v1, v3;
	_ =	sdelay $0x1  }
0x97: {  	s2 =	simm.s32 $0xB400  }
0x98: {  	[tilespmem:s2], [sflag:$0x2] =	stream.indirect_vreg.gather [hbm4b:s1+s3], $0x80, v4, vm0, $0xb8;
	[tilespmem:$0x18400] =	vst v63  }
0x99: {  	s19 =	simm.s32 $0xBC00  }
0x9a: {  	[tilespmem:s19], [sflag:$0x2] =	stream.indirect_vreg.gather [hbm4b:s1+s3], $0x80, v3, vm0, $0xb8;
	[tilespmem:$0x18400] =	vst v63  }
0x9b: {  	v3 =	vld [tilespmem:$0xC0];
	_ =	sdelay $0x4  }
0x9c: {  	v12 =	vshll.u32 v3, $0x1  }
0x9d: {  	v3 =	vand.u32 $0x7, v3;
	v4 =	vand.u32 $0xFFFFFFF0, v12  }
0x9e: {  	v3 =	vor.u32 v3, v4  }
0x9f: {  	v4 =	vperm.xlane v3, v0;
	_ =	sdelay $0x1  }
0xa0: {  	v3 =	vperm.xlane v3, v2;
	v4 =	vadd.s32 v1, v4;
	_ =	sdelay $0x1  }
0xa1: {  	v3 =	vadd.s32 v1, v3;
	_ =	sdelay $0x1  }
0xa2: {  	s2 =	simm.s32 $0xC400  }
0xa3: {  	[tilespmem:s2], [sflag:$0x2] =	stream.indirect_vreg.gather [hbm4b:s1+s3], $0x80, v4, vm0, $0xb8;
	[tilespmem:$0x18400] =	vst v63  }
0xa4: {  	s19 =	simm.s32 $0xCC00  }
0xa5: {  	[tilespmem:s19], [sflag:$0x2] =	stream.indirect_vreg.gather [hbm4b:s1+s3], $0x80, v3, vm0, $0xb8;
	[tilespmem:$0x18400] =	vst v63  }
0xa6: {  	v3 =	vld [tilespmem:$0xD0];
	_ =	sdelay $0x4  }
0xa7: {  	v13 =	vshll.u32 v3, $0x1  }
0xa8: {  	v3 =	vand.u32 $0x7, v3;
	v4 =	vand.u32 $0xFFFFFFF0, v13  }
0xa9: {  	v3 =	vor.u32 v3, v4  }
0xaa: {  	v4 =	vperm.xlane v3, v0;
	_ =	sdelay $0x1  }
0xab: {  	v3 =	vperm.xlane v3, v2;
	v4 =	vadd.s32 v1, v4;
	_ =	sdelay $0x1  }
0xac: {  	v3 =	vadd.s32 v1, v3;
	_ =	sdelay $0x1  }
0xad: {  	s2 =	simm.s32 $0xD400  }
0xae: {  	[tilespmem:s2], [sflag:$0x2] =	stream.indirect_vreg.gather [hbm4b:s1+s3], $0x80, v4, vm0, $0xb8;
	[tilespmem:$0x18400] =	vst v63  }
0xaf: {  	s19 =	simm.s32 $0xDC00  }
0xb0: {  	[tilespmem:s19], [sflag:$0x2] =	stream.indirect_vreg.gather [hbm4b:s1+s3], $0x80, v3, vm0, $0xb8;
	[tilespmem:$0x18400] =	vst v63  }
0xb1: {  	v3 =	vld [tilespmem:$0xE0];
	_ =	sdelay $0x4  }
0xb2: {  	v14 =	vshll.u32 v3, $0x1  }
0xb3: {  	v3 =	vand.u32 $0x7, v3;
	v4 =	vand.u32 $0xFFFFFFF0, v14  }
0xb4: {  	v3 =	vor.u32 v3, v4  }
0xb5: {  	v4 =	vperm.xlane v3, v0;
	_ =	sdelay $0x1  }
0xb6: {  	v3 =	vperm.xlane v3, v2;
	v4 =	vadd.s32 v1, v4;
	_ =	sdelay $0x1  }
0xb7: {  	v3 =	vadd.s32 v1, v3;
	_ =	sdelay $0x1  }
0xb8: {  	s2 =	simm.s32 $0xE400  }
0xb9: {  	[tilespmem:s2], [sflag:$0x2] =	stream.indirect_vreg.gather [hbm4b:s1+s3], $0x80, v4, vm0, $0xb8;
	[tilespmem:$0x18400] =	vst v63  }
0xba: {  	s19 =	simm.s32 $0xEC00  }
0xbb: {  	[tilespmem:s19], [sflag:$0x2] =	stream.indirect_vreg.gather [hbm4b:s1+s3], $0x80, v3, vm0, $0xb8;
	[tilespmem:$0x18400] =	vst v63  }
0xbc: {  	v3 =	vld [tilespmem:$0xF0];
	_ =	sdelay $0x4  }
0xbd: {  	v15 =	vshll.u32 v3, $0x1  }
0xbe: {  	v3 =	vand.u32 $0x7, v3;
	v4 =	vand.u32 $0xFFFFFFF0, v15  }
0xbf: {  	v3 =	vor.u32 v3, v4  }
0xc0: {  	v4 =	vperm.xlane v3, v0;
	_ =	sdelay $0x1  }
0xc1: {  	v3 =	vperm.xlane v3, v2;
	v4 =	vadd.s32 v1, v4;
	_ =	sdelay $0x1  }
0xc2: {  	v3 =	vadd.s32 v1, v3;
	_ =	sdelay $0x1  }
0xc3: {  	s2 =	simm.s32 $0xF400  }
0xc4: {  	[tilespmem:s2], [sflag:$0x2] =	stream.indirect_vreg.gather [hbm4b:s1+s3], $0x80, v4, vm0, $0xb8;
	[tilespmem:$0x18400] =	vst v63  }
0xc5: {  	s19 =	simm.s32 $0xFC00  }
0xc6: {  	[tilespmem:s19], [sflag:$0x2] =	stream.indirect_vreg.gather [hbm4b:s1+s3], $0x80, v3, vm0, $0xb8;
	[tilespmem:$0x18400] =	vst v63  }
0xc7: {  	_ =	swait.ge [sflag:s12], $0x8000  }
0xc8: {  	[sflag:s12] =	ssyncset.done $0x0  }
0xc9: {  	s0 =	rddreg [dreg:$0xc];
	[sflag:s12] =	ssyncadd.s32 $0xFFFF8000  }
0xca: {  	[hbm4b:s0+s3] =	stream.linear.scatter [tilespmem:s28], [sflag:$0x4], $0x8000, $0x38;
	[tilespmem:$0x18400] =	vst v63  }
0xcb: {  	v3 =	vld [tilespmem:$0x100];
	_ =	sdelay $0x4  }
0xcc: {  	v16 =	vshll.u32 v3, $0x1  }
0xcd: {  	v3 =	vand.u32 $0x7, v3;
	v4 =	vand.u32 $0xFFFFFFF0, v16  }
0xce: {  	v3 =	vor.u32 v3, v4  }
0xcf: {  	v4 =	vperm.xlane v3, v0;
	_ =	sdelay $0x1  }
0xd0: {  	v3 =	vperm.xlane v3, v2;
	v4 =	vadd.s32 v1, v4;
	_ =	sdelay $0x1  }
0xd1: {  	v3 =	vadd.s32 v1, v3;
	_ =	sdelay $0x1  }
0xd2: {  	s0 =	simm.s32 $0x10400  }
0xd3: {  	[tilespmem:s0], [sflag:$0x3] =	stream.indirect_vreg.gather [hbm4b:s1+s3], $0x80, v4, vm0, $0xb8;
	[tilespmem:$0x18400] =	vst v63  }
0xd4: {  	s2 =	simm.s32 $0x10C00  }
0xd5: {  	[tilespmem:s2], [sflag:$0x3] =	stream.indirect_vreg.gather [hbm4b:s1+s3], $0x80, v3, vm0, $0xb8;
	[tilespmem:$0x18400] =	vst v63  }
0xd6: {  	v3 =	vld [tilespmem:$0x110];
	_ =	sdelay $0x4  }
0xd7: {  	v17 =	vshll.u32 v3, $0x1  }
0xd8: {  	v3 =	vand.u32 $0x7, v3;
	v4 =	vand.u32 $0xFFFFFFF0, v17  }
0xd9: {  	v3 =	vor.u32 v3, v4  }
0xda: {  	v4 =	vperm.xlane v3, v0;
	_ =	sdelay $0x1  }
0xdb: {  	v3 =	vperm.xlane v3, v2;
	v4 =	vadd.s32 v1, v4;
	_ =	sdelay $0x1  }
0xdc: {  	v3 =	vadd.s32 v1, v3;
	_ =	sdelay $0x2  }
0xdd: {  	[tilespmem:s4], [sflag:$0x3] =	stream.indirect_vreg.gather [hbm4b:s1+s3], $0x80, v4, vm0, $0xb8;
	[tilespmem:$0x18400] =	vst v63  }
0xde: {  	_ = 	snop  }
0xdf: {  	[tilespmem:s6], [sflag:$0x3] =	stream.indirect_vreg.gather [hbm4b:s1+s3], $0x80, v3, vm0, $0xb8;
	[tilespmem:$0x18400] =	vst v63  }
0xe0: {  	v3 =	vld [tilespmem:$0x120];
	_ =	sdelay $0x4  }
0xe1: {  	v18 =	vshll.u32 v3, $0x1  }
0xe2: {  	v3 =	vand.u32 $0x7, v3;
	v4 =	vand.u32 $0xFFFFFFF0, v18  }
0xe3: {  	v3 =	vor.u32 v3, v4  }
0xe4: {  	v4 =	vperm.xlane v3, v0;
	_ =	sdelay $0x1  }
0xe5: {  	v3 =	vperm.xlane v3, v2;
	v4 =	vadd.s32 v1, v4;
	_ =	sdelay $0x1  }
0xe6: {  	v3 =	vadd.s32 v1, v3;
	_ =	sdelay $0x2  }
0xe7: {  	[tilespmem:s7], [sflag:$0x3] =	stream.indirect_vreg.gather [hbm4b:s1+s3], $0x80, v4, vm0, $0xb8;
	[tilespmem:$0x18400] =	vst v63  }
0xe8: {  	_ = 	snop  }
0xe9: {  	[tilespmem:s8], [sflag:$0x3] =	stream.indirect_vreg.gather [hbm4b:s1+s3], $0x80, v3, vm0, $0xb8;
	[tilespmem:$0x18400] =	vst v63  }
0xea: {  	v3 =	vld [tilespmem:$0x130];
	_ =	sdelay $0x4  }
0xeb: {  	v19 =	vshll.u32 v3, $0x1  }
0xec: {  	v3 =	vand.u32 $0x7, v3;
	v4 =	vand.u32 $0xFFFFFFF0, v19  }
0xed: {  	v3 =	vor.u32 v3, v4  }
0xee: {  	v4 =	vperm.xlane v3, v0;
	_ =	sdelay $0x1  }
0xef: {  	v3 =	vperm.xlane v3, v2;
	v4 =	vadd.s32 v1, v4;
	_ =	sdelay $0x1  }
0xf0: {  	v3 =	vadd.s32 v1, v3;
	_ =	sdelay $0x2  }
0xf1: {  	[tilespmem:s9], [sflag:$0x3] =	stream.indirect_vreg.gather [hbm4b:s1+s3], $0x80, v4, vm0, $0xb8;
	[tilespmem:$0x18400] =	vst v63  }
0xf2: {  	_ = 	snop  }
0xf3: {  	[tilespmem:s10], [sflag:$0x3] =	stream.indirect_vreg.gather [hbm4b:s1+s3], $0x80, v3, vm0, $0xb8;
	[tilespmem:$0x18400] =	vst v63  }
0xf4: {  	v3 =	vld [tilespmem:$0x140];
	_ =	sdelay $0x4  }
0xf5: {  	v20 =	vshll.u32 v3, $0x1  }
0xf6: {  	v3 =	vand.u32 $0x7, v3;
	v4 =	vand.u32 $0xFFFFFFF0, v20  }
0xf7: {  	v3 =	vor.u32 v3, v4  }
0xf8: {  	v4 =	vperm.xlane v3, v0;
	_ =	sdelay $0x1  }
0xf9: {  	v3 =	vperm.xlane v3, v2;
	v4 =	vadd.s32 v1, v4;
	_ =	sdelay $0x1  }
0xfa: {  	v3 =	vadd.s32 v1, v3;
	_ =	sdelay $0x2  }
0xfb: {  	[tilespmem:s11], [sflag:$0x3] =	stream.indirect_vreg.gather [hbm4b:s1+s3], $0x80, v4, vm0, $0xb8;
	[tilespmem:$0x18400] =	vst v63  }
0xfc: {  	_ = 	snop  }
0xfd: {  	[tilespmem:s13], [sflag:$0x3] =	stream.indirect_vreg.gather [hbm4b:s1+s3], $0x80, v3, vm0, $0xb8;
	[tilespmem:$0x18400] =	vst v63  }
0xfe: {  	v3 =	vld [tilespmem:$0x150];
	_ =	sdelay $0x4  }
0xff: {  	v21 =	vshll.u32 v3, $0x1  }
0x100: {  	v3 =	vand.u32 $0x7, v3;
	v4 =	vand.u32 $0xFFFFFFF0, v21  }
0x101: {  	v3 =	vor.u32 v3, v4  }
0x102: {  	v4 =	vperm.xlane v3, v0;
	_ =	sdelay $0x1  }
0x103: {  	v3 =	vperm.xlane v3, v2;
	v4 =	vadd.s32 v1, v4;
	_ =	sdelay $0x1  }
0x104: {  	v3 =	vadd.s32 v1, v3;
	_ =	sdelay $0x2  }
0x105: {  	[tilespmem:s20], [sflag:$0x3] =	stream.indirect_vreg.gather [hbm4b:s1+s3], $0x80, v4, vm0, $0xb8;
	[tilespmem:$0x18400] =	vst v63  }
0x106: {  	_ = 	snop  }
0x107: {  	[tilespmem:s21], [sflag:$0x3] =	stream.indirect_vreg.gather [hbm4b:s1+s3], $0x80, v3, vm0, $0xb8;
	[tilespmem:$0x18400] =	vst v63  }
0x108: {  	v3 =	vld [tilespmem:$0x160];
	_ =	sdelay $0x4  }
0x109: {  	v22 =	vshll.u32 v3, $0x1  }
0x10a: {  	v3 =	vand.u32 $0x7, v3;
	v4 =	vand.u32 $0xFFFFFFF0, v22  }
0x10b: {  	v3 =	vor.u32 v3, v4  }
0x10c: {  	v4 =	vperm.xlane v3, v0;
	_ =	sdelay $0x1  }
0x10d: {  	v3 =	vperm.xlane v3, v2;
	v4 =	vadd.s32 v1, v4;
	_ =	sdelay $0x1  }
0x10e: {  	v3 =	vadd.s32 v1, v3;
	_ =	sdelay $0x2  }
0x10f: {  	[tilespmem:s22], [sflag:$0x3] =	stream.indirect_vreg.gather [hbm4b:s1+s3], $0x80, v4, vm0, $0xb8;
	[tilespmem:$0x18400] =	vst v63  }
0x110: {  	_ = 	snop  }
0x111: {  	[tilespmem:s24], [sflag:$0x3] =	stream.indirect_vreg.gather [hbm4b:s1+s3], $0x80, v3, vm0, $0xb8;
	[tilespmem:$0x18400] =	vst v63  }
0x112: {  	v3 =	vld [tilespmem:$0x170];
	_ =	sdelay $0x4  }
0x113: {  	v23 =	vshll.u32 v3, $0x1  }
0x114: {  	v3 =	vand.u32 $0x7, v3;
	v4 =	vand.u32 $0xFFFFFFF0, v23  }
0x115: {  	v3 =	vor.u32 v3, v4  }
0x116: {  	v4 =	vperm.xlane v3, v0;
	_ =	sdelay $0x1  }
0x117: {  	v3 =	vperm.xlane v3, v2;
	v4 =	vadd.s32 v1, v4;
	_ =	sdelay $0x1  }
0x118: {  	v3 =	vadd.s32 v1, v3;
	_ =	sdelay $0x2  }
0x119: {  	[tilespmem:s25], [sflag:$0x3] =	stream.indirect_vreg.gather [hbm4b:s1+s3], $0x80, v4, vm0, $0xb8;
	[tilespmem:$0x18400] =	vst v63  }
0x11a: {  	_ = 	snop  }
0x11b: {  	[tilespmem:s26], [sflag:$0x3] =	stream.indirect_vreg.gather [hbm4b:s1+s3], $0x80, v3, vm0, $0xb8;
	[tilespmem:$0x18400] =	vst v63  }
0x11c: {  	_ =	swait.ge [sflag:s14], $0x8000  }
0x11d: {  	[sflag:s14] =	ssyncset.done $0x0  }
0x11e: {  	s19 =	rddreg [dreg:$0x5];
	[sflag:s14] =	ssyncadd.s32 $0xFFFF8000  }
0x11f: {  	[hbm4b:s19+s3] =	stream.linear.scatter [tilespmem:s23], [sflag:$0x5], $0x8000, $0x38;
	[tilespmem:$0x18400] =	vst v63  }
0x120: {  	_ =	swait.ge [sflag:s15], $0x8000  }
0x121: {  	[sflag:s15] =	ssyncset.done $0x0  }
0x122: {  	[sflag:s15] =	ssyncadd.s32 $0xFFFF8000  }
0x123: {  	v3 =	vld [tilespmem:$0x180];
	_ =	sdelay $0x4  }
0x124: {  	v24 =	vshll.u32 v3, $0x1  }
0x125: {  	v3 =	vand.u32 $0x7, v3;
	v4 =	vand.u32 $0xFFFFFFF0, v24  }
0x126: {  	v3 =	vor.u32 v3, v4  }
0x127: {  	v4 =	vperm.xlane v3, v0;
	_ =	sdelay $0x1  }
0x128: {  	v3 =	vperm.xlane v3, v2;
	v4 =	vadd.s32 v1, v4;
	_ =	sdelay $0x1  }
0x129: {  	v3 =	vadd.s32 v1, v3;
	_ =	sdelay $0x2  }
0x12a: {  	[tilespmem:s28], [sflag:$0x1] =	stream.indirect_vreg.gather [hbm4b:s1+s3], $0x80, v4, vm0, $0xb8;
	[tilespmem:$0x18400] =	vst v63  }
0x12b: {  	s19 =	simm.s32 $0xC00  }
0x12c: {  	[tilespmem:s19], [sflag:$0x1] =	stream.indirect_vreg.gather [hbm4b:s1+s3], $0x80, v3, vm0, $0xb8;
	[tilespmem:$0x18400] =	vst v63  }
0x12d: {  	v3 =	vld [tilespmem:$0x190];
	_ =	sdelay $0x4  }
0x12e: {  	v25 =	vshll.u32 v3, $0x1  }
0x12f: {  	v3 =	vand.u32 $0x7, v3;
	v4 =	vand.u32 $0xFFFFFFF0, v25  }
0x130: {  	v3 =	vor.u32 v3, v4  }
0x131: {  	v4 =	vperm.xlane v3, v0;
	_ =	sdelay $0x1  }
0x132: {  	v3 =	vperm.xlane v3, v2;
	v4 =	vadd.s32 v1, v4;
	_ =	sdelay $0x1  }
0x133: {  	v3 =	vadd.s32 v1, v3;
	_ =	sdelay $0x1  }
0x134: {  	s19 =	simm.s32 $0x1400  }
0x135: {  	[tilespmem:s19], [sflag:$0x1] =	stream.indirect_vreg.gather [hbm4b:s1+s3], $0x80, v4, vm0, $0xb8;
	[tilespmem:$0x18400] =	vst v63  }
0x136: {  	s19 =	simm.s32 $0x1C00  }
0x137: {  	[tilespmem:s19], [sflag:$0x1] =	stream.indirect_vreg.gather [hbm4b:s1+s3], $0x80, v3, vm0, $0xb8;
	[tilespmem:$0x18400] =	vst v63  }
0x138: {  	v3 =	vld [tilespmem:$0x1A0];
	_ =	sdelay $0x4  }
0x139: {  	v26 =	vshll.u32 v3, $0x1  }
0x13a: {  	v3 =	vand.u32 $0x7, v3;
	v4 =	vand.u32 $0xFFFFFFF0, v26  }
0x13b: {  	v3 =	vor.u32 v3, v4  }
0x13c: {  	v4 =	vperm.xlane v3, v0;
	_ =	sdelay $0x1  }
0x13d: {  	v3 =	vperm.xlane v3, v2;
	v4 =	vadd.s32 v1, v4;
	_ =	sdelay $0x1  }
0x13e: {  	v3 =	vadd.s32 v1, v3;
	_ =	sdelay $0x1  }
0x13f: {  	s19 =	simm.s32 $0x2400  }
0x140: {  	[tilespmem:s19], [sflag:$0x1] =	stream.indirect_vreg.gather [hbm4b:s1+s3], $0x80, v4, vm0, $0xb8;
	[tilespmem:$0x18400] =	vst v63  }
0x141: {  	s19 =	simm.s32 $0x2C00  }
0x142: {  	[tilespmem:s19], [sflag:$0x1] =	stream.indirect_vreg.gather [hbm4b:s1+s3], $0x80, v3, vm0, $0xb8;
	[tilespmem:$0x18400] =	vst v63  }
0x143: {  	v3 =	vld [tilespmem:$0x1B0];
	_ =	sdelay $0x4  }
0x144: {  	v27 =	vshll.u32 v3, $0x1  }
0x145: {  	v3 =	vand.u32 $0x7, v3;
	v4 =	vand.u32 $0xFFFFFFF0, v27  }
0x146: {  	v3 =	vor.u32 v3, v4  }
0x147: {  	v4 =	vperm.xlane v3, v0;
	_ =	sdelay $0x1  }
0x148: {  	v3 =	vperm.xlane v3, v2;
	v4 =	vadd.s32 v1, v4;
	_ =	sdelay $0x1  }
0x149: {  	v3 =	vadd.s32 v1, v3;
	_ =	sdelay $0x1  }
0x14a: {  	s19 =	simm.s32 $0x3400  }
0x14b: {  	[tilespmem:s19], [sflag:$0x1] =	stream.indirect_vreg.gather [hbm4b:s1+s3], $0x80, v4, vm0, $0xb8;
	[tilespmem:$0x18400] =	vst v63  }
0x14c: {  	s19 =	simm.s32 $0x3C00  }
0x14d: {  	[tilespmem:s19], [sflag:$0x1] =	stream.indirect_vreg.gather [hbm4b:s1+s3], $0x80, v3, vm0, $0xb8;
	[tilespmem:$0x18400] =	vst v63  }
0x14e: {  	v3 =	vld [tilespmem:$0x1C0];
	_ =	sdelay $0x4  }
0x14f: {  	v28 =	vshll.u32 v3, $0x1  }
0x150: {  	v3 =	vand.u32 $0x7, v3;
	v4 =	vand.u32 $0xFFFFFFF0, v28  }
0x151: {  	v3 =	vor.u32 v3, v4  }
0x152: {  	v4 =	vperm.xlane v3, v0;
	_ =	sdelay $0x1  }
0x153: {  	v3 =	vperm.xlane v3, v2;
	v4 =	vadd.s32 v1, v4;
	_ =	sdelay $0x1  }
0x154: {  	v3 =	vadd.s32 v1, v3;
	_ =	sdelay $0x2  }
0x155: {  	[tilespmem:s29], [sflag:$0x1] =	stream.indirect_vreg.gather [hbm4b:s1+s3], $0x80, v4, vm0, $0xb8;
	[tilespmem:$0x18400] =	vst v63  }
0x156: {  	_ = 	snop  }
0x157: {  	[tilespmem:s30], [sflag:$0x1] =	stream.indirect_vreg.gather [hbm4b:s1+s3], $0x80, v3, vm0, $0xb8;
	[tilespmem:$0x18400] =	vst v63  }
0x158: {  	v3 =	vld [tilespmem:$0x1D0];
	_ =	sdelay $0x4  }
0x159: {  	v29 =	vshll.u32 v3, $0x1  }
0x15a: {  	v3 =	vand.u32 $0x7, v3;
	v4 =	vand.u32 $0xFFFFFFF0, v29  }
0x15b: {  	v3 =	vor.u32 v3, v4  }
0x15c: {  	v4 =	vperm.xlane v3, v0;
	_ =	sdelay $0x1  }
0x15d: {  	v3 =	vperm.xlane v3, v2;
	v4 =	vadd.s32 v1, v4;
	_ =	sdelay $0x1  }
0x15e: {  	v3 =	vadd.s32 v1, v3;
	_ =	sdelay $0x2  }
0x15f: {  	[tilespmem:s31], [sflag:$0x1] =	stream.indirect_vreg.gather [hbm4b:s1+s3], $0x80, v4, vm0, $0xb8;
	[tilespmem:$0x18400] =	vst v63  }
0x160: {  	s19 =	simm.s32 $0x5C00  }
0x161: {  	[tilespmem:s19], [sflag:$0x1] =	stream.indirect_vreg.gather [hbm4b:s1+s3], $0x80, v3, vm0, $0xb8;
	[tilespmem:$0x18400] =	vst v63  }
0x162: {  	v3 =	vld [tilespmem:$0x1E0];
	_ =	sdelay $0x4  }
0x163: {  	v30 =	vshll.u32 v3, $0x1  }
0x164: {  	v3 =	vand.u32 $0x7, v3;
	v4 =	vand.u32 $0xFFFFFFF0, v30  }
0x165: {  	v3 =	vor.u32 v3, v4  }
0x166: {  	v4 =	vperm.xlane v3, v0;
	_ =	sdelay $0x1  }
0x167: {  	v3 =	vperm.xlane v3, v2;
	v4 =	vadd.s32 v1, v4;
	_ =	sdelay $0x1  }
0x168: {  	v3 =	vadd.s32 v1, v3;
	_ =	sdelay $0x1  }
0x169: {  	s19 =	simm.s32 $0x6400  }
0x16a: {  	[tilespmem:s19], [sflag:$0x1] =	stream.indirect_vreg.gather [hbm4b:s1+s3], $0x80, v4, vm0, $0xb8;
	[tilespmem:$0x18400] =	vst v63  }
0x16b: {  	s19 =	simm.s32 $0x6C00  }
0x16c: {  	[tilespmem:s19], [sflag:$0x1] =	stream.indirect_vreg.gather [hbm4b:s1+s3], $0x80, v3, vm0, $0xb8;
	[tilespmem:$0x18400] =	vst v63  }
0x16d: {  	v3 =	vld [tilespmem:$0x1F0];
	_ =	sdelay $0x4  }
0x16e: {  	v31 =	vshll.u32 v3, $0x1  }
0x16f: {  	v3 =	vand.u32 $0x7, v3;
	v4 =	vand.u32 $0xFFFFFFF0, v31  }
0x170: {  	v3 =	vor.u32 v3, v4  }
0x171: {  	v4 =	vperm.xlane v3, v0;
	_ =	sdelay $0x1  }
0x172: {  	v3 =	vperm.xlane v3, v2;
	v4 =	vadd.s32 v1, v4;
	_ =	sdelay $0x1  }
0x173: {  	v3 =	vadd.s32 v1, v3;
	_ =	sdelay $0x1  }
0x174: {  	s19 =	simm.s32 $0x7400  }
0x175: {  	[tilespmem:s19], [sflag:$0x1] =	stream.indirect_vreg.gather [hbm4b:s1+s3], $0x80, v4, vm0, $0xb8;
	[tilespmem:$0x18400] =	vst v63  }
0x176: {  	s19 =	simm.s32 $0x7C00  }
0x177: {  	[tilespmem:s19], [sflag:$0x1] =	stream.indirect_vreg.gather [hbm4b:s1+s3], $0x80, v3, vm0, $0xb8;
	[tilespmem:$0x18400] =	vst v63  }
0x178: {  	_ =	swait.ge [sflag:s16], $0x8000  }
0x179: {  	[sflag:s16] =	ssyncset.done $0x0  }
0x17a: {  	s19 =	rddreg [dreg:$0x6];
	[sflag:s16] =	ssyncadd.s32 $0xFFFF8000  }
0x17b: {  	[hbm4b:s19+s3] =	stream.linear.scatter [tilespmem:s0], [sflag:$0x6], $0x8000, $0x38;
	[tilespmem:$0x18400] =	vst v63  }
0x17c: {  	_ =	swait.ge [sflag:s17], $0x8000  }
0x17d: {  	[sflag:s17] =	ssyncset.done $0x0  }
0x17e: {  	[sflag:s17] =	ssyncadd.s32 $0xFFFF8000  }
0x17f: {  	v3 =	vld [tilespmem:$0x200];
	_ =	sdelay $0x4  }
0x180: {  	v32 =	vshll.u32 v3, $0x1  }
0x181: {  	v3 =	vand.u32 $0x7, v3;
	v4 =	vand.u32 $0xFFFFFFF0, v32  }
0x182: {  	v3 =	vor.u32 v3, v4  }
0x183: {  	v4 =	vperm.xlane v3, v0;
	_ =	sdelay $0x1  }
0x184: {  	v3 =	vperm.xlane v3, v2;
	v4 =	vadd.s32 v1, v4;
	_ =	sdelay $0x1  }
0x185: {  	v3 =	vadd.s32 v1, v3;
	_ =	sdelay $0x2  }
0x186: {  	[tilespmem:s23], [sflag:$0x2] =	stream.indirect_vreg.gather [hbm4b:s1+s3], $0x80, v4, vm0, $0xb8;
	[tilespmem:$0x18400] =	vst v63  }
0x187: {  	s19 =	simm.s32 $0x8C00  }
0x188: {  	[tilespmem:s19], [sflag:$0x2] =	stream.indirect_vreg.gather [hbm4b:s1+s3], $0x80, v3, vm0, $0xb8;
	[tilespmem:$0x18400] =	vst v63  }
0x189: {  	v3 =	vld [tilespmem:$0x210];
	_ =	sdelay $0x4  }
0x18a: {  	v33 =	vshll.u32 v3, $0x1  }
0x18b: {  	v3 =	vand.u32 $0x7, v3;
	v4 =	vand.u32 $0xFFFFFFF0, v33  }
0x18c: {  	v3 =	vor.u32 v3, v4  }
0x18d: {  	v4 =	vperm.xlane v3, v0;
	_ =	sdelay $0x1  }
0x18e: {  	v3 =	vperm.xlane v3, v2;
	v4 =	vadd.s32 v1, v4;
	_ =	sdelay $0x1  }
0x18f: {  	v3 =	vadd.s32 v1, v3;
	_ =	sdelay $0x1  }
0x190: {  	s19 =	simm.s32 $0x9400  }
0x191: {  	[tilespmem:s19], [sflag:$0x2] =	stream.indirect_vreg.gather [hbm4b:s1+s3], $0x80, v4, vm0, $0xb8;
	[tilespmem:$0x18400] =	vst v63  }
0x192: {  	s19 =	simm.s32 $0x9C00  }
0x193: {  	[tilespmem:s19], [sflag:$0x2] =	stream.indirect_vreg.gather [hbm4b:s1+s3], $0x80, v3, vm0, $0xb8;
	[tilespmem:$0x18400] =	vst v63  }
0x194: {  	v3 =	vld [tilespmem:$0x220];
	_ =	sdelay $0x4  }
0x195: {  	v34 =	vshll.u32 v3, $0x1  }
0x196: {  	v3 =	vand.u32 $0x7, v3;
	v4 =	vand.u32 $0xFFFFFFF0, v34  }
0x197: {  	v3 =	vor.u32 v3, v4  }
0x198: {  	v4 =	vperm.xlane v3, v0;
	_ =	sdelay $0x1  }
0x199: {  	v3 =	vperm.xlane v3, v2;
	v4 =	vadd.s32 v1, v4;
	_ =	sdelay $0x1  }
0x19a: {  	v3 =	vadd.s32 v1, v3;
	_ =	sdelay $0x1  }
0x19b: {  	s19 =	simm.s32 $0xA400  }
0x19c: {  	[tilespmem:s19], [sflag:$0x2] =	stream.indirect_vreg.gather [hbm4b:s1+s3], $0x80, v4, vm0, $0xb8;
	[tilespmem:$0x18400] =	vst v63  }
0x19d: {  	s19 =	simm.s32 $0xAC00  }
0x19e: {  	[tilespmem:s19], [sflag:$0x2] =	stream.indirect_vreg.gather [hbm4b:s1+s3], $0x80, v3, vm0, $0xb8;
	[tilespmem:$0x18400] =	vst v63  }
0x19f: {  	v3 =	vld [tilespmem:$0x230];
	_ =	sdelay $0x4  }
0x1a0: {  	v35 =	vshll.u32 v3, $0x1  }
0x1a1: {  	v3 =	vand.u32 $0x7, v3;
	v4 =	vand.u32 $0xFFFFFFF0, v35  }
0x1a2: {  	v3 =	vor.u32 v3, v4  }
0x1a3: {  	v4 =	vperm.xlane v3, v0;
	_ =	sdelay $0x1  }
0x1a4: {  	v3 =	vperm.xlane v3, v2;
	v4 =	vadd.s32 v1, v4;
	_ =	sdelay $0x1  }
0x1a5: {  	v3 =	vadd.s32 v1, v3;
	_ =	sdelay $0x1  }
0x1a6: {  	s19 =	simm.s32 $0xB400  }
0x1a7: {  	[tilespmem:s19], [sflag:$0x2] =	stream.indirect_vreg.gather [hbm4b:s1+s3], $0x80, v4, vm0, $0xb8;
	[tilespmem:$0x18400] =	vst v63  }
0x1a8: {  	s19 =	simm.s32 $0xBC00  }
0x1a9: {  	[tilespmem:s19], [sflag:$0x2] =	stream.indirect_vreg.gather [hbm4b:s1+s3], $0x80, v3, vm0, $0xb8;
	[tilespmem:$0x18400] =	vst v63  }
0x1aa: {  	v3 =	vld [tilespmem:$0x240];
	_ =	sdelay $0x4  }
0x1ab: {  	v36 =	vshll.u32 v3, $0x1  }
0x1ac: {  	v3 =	vand.u32 $0x7, v3;
	v4 =	vand.u32 $0xFFFFFFF0, v36  }
0x1ad: {  	v3 =	vor.u32 v3, v4  }
0x1ae: {  	v4 =	vperm.xlane v3, v0;
	_ =	sdelay $0x1  }
0x1af: {  	v3 =	vperm.xlane v3, v2;
	v4 =	vadd.s32 v1, v4;
	_ =	sdelay $0x1  }
0x1b0: {  	v3 =	vadd.s32 v1, v3;
	_ =	sdelay $0x1  }
0x1b1: {  	s19 =	simm.s32 $0xC400  }
0x1b2: {  	[tilespmem:s19], [sflag:$0x2] =	stream.indirect_vreg.gather [hbm4b:s1+s3], $0x80, v4, vm0, $0xb8;
	[tilespmem:$0x18400] =	vst v63  }
0x1b3: {  	s19 =	simm.s32 $0xCC00  }
0x1b4: {  	[tilespmem:s19], [sflag:$0x2] =	stream.indirect_vreg.gather [hbm4b:s1+s3], $0x80, v3, vm0, $0xb8;
	[tilespmem:$0x18400] =	vst v63  }
0x1b5: {  	v3 =	vld [tilespmem:$0x250];
	_ =	sdelay $0x4  }
0x1b6: {  	v37 =	vshll.u32 v3, $0x1  }
0x1b7: {  	v3 =	vand.u32 $0x7, v3;
	v4 =	vand.u32 $0xFFFFFFF0, v37  }
0x1b8: {  	v3 =	vor.u32 v3, v4  }
0x1b9: {  	v4 =	vperm.xlane v3, v0;
	_ =	sdelay $0x1  }
0x1ba: {  	v3 =	vperm.xlane v3, v2;
	v4 =	vadd.s32 v1, v4;
	_ =	sdelay $0x1  }
0x1bb: {  	v3 =	vadd.s32 v1, v3;
	_ =	sdelay $0x1  }
0x1bc: {  	s19 =	simm.s32 $0xD400  }
0x1bd: {  	[tilespmem:s19], [sflag:$0x2] =	stream.indirect_vreg.gather [hbm4b:s1+s3], $0x80, v4, vm0, $0xb8;
	[tilespmem:$0x18400] =	vst v63  }
0x1be: {  	s19 =	simm.s32 $0xDC00  }
0x1bf: {  	[tilespmem:s19], [sflag:$0x2] =	stream.indirect_vreg.gather [hbm4b:s1+s3], $0x80, v3, vm0, $0xb8;
	[tilespmem:$0x18400] =	vst v63  }
0x1c0: {  	v3 =	vld [tilespmem:$0x260];
	_ =	sdelay $0x4  }
0x1c1: {  	v38 =	vshll.u32 v3, $0x1  }
0x1c2: {  	v3 =	vand.u32 $0x7, v3;
	v4 =	vand.u32 $0xFFFFFFF0, v38  }
0x1c3: {  	v3 =	vor.u32 v3, v4  }
0x1c4: {  	v4 =	vperm.xlane v3, v0;
	_ =	sdelay $0x1  }
0x1c5: {  	v3 =	vperm.xlane v3, v2;
	v4 =	vadd.s32 v1, v4;
	_ =	sdelay $0x1  }
0x1c6: {  	v3 =	vadd.s32 v1, v3;
	_ =	sdelay $0x1  }
0x1c7: {  	s19 =	simm.s32 $0xE400  }
0x1c8: {  	[tilespmem:s19], [sflag:$0x2] =	stream.indirect_vreg.gather [hbm4b:s1+s3], $0x80, v4, vm0, $0xb8;
	[tilespmem:$0x18400] =	vst v63  }
0x1c9: {  	s19 =	simm.s32 $0xEC00  }
0x1ca: {  	[tilespmem:s19], [sflag:$0x2] =	stream.indirect_vreg.gather [hbm4b:s1+s3], $0x80, v3, vm0, $0xb8;
	[tilespmem:$0x18400] =	vst v63  }
0x1cb: {  	v3 =	vld [tilespmem:$0x270];
	_ =	sdelay $0x4  }
0x1cc: {  	v39 =	vshll.u32 v3, $0x1  }
0x1cd: {  	v3 =	vand.u32 $0x7, v3;
	v4 =	vand.u32 $0xFFFFFFF0, v39  }
0x1ce: {  	v3 =	vor.u32 v3, v4  }
0x1cf: {  	v4 =	vperm.xlane v3, v0;
	_ =	sdelay $0x1  }
0x1d0: {  	v3 =	vperm.xlane v3, v2;
	v4 =	vadd.s32 v1, v4;
	_ =	sdelay $0x1  }
0x1d1: {  	v3 =	vadd.s32 v1, v3;
	_ =	sdelay $0x1  }
0x1d2: {  	s19 =	simm.s32 $0xF400  }
0x1d3: {  	[tilespmem:s19], [sflag:$0x2] =	stream.indirect_vreg.gather [hbm4b:s1+s3], $0x80, v4, vm0, $0xb8;
	[tilespmem:$0x18400] =	vst v63  }
0x1d4: {  	s19 =	simm.s32 $0xFC00  }
0x1d5: {  	[tilespmem:s19], [sflag:$0x2] =	stream.indirect_vreg.gather [hbm4b:s1+s3], $0x80, v3, vm0, $0xb8;
	[tilespmem:$0x18400] =	vst v63  }
0x1d6: {  	_ =	swait.ge [sflag:s12], $0x8000  }
0x1d7: {  	[sflag:s12] =	ssyncset.done $0x0  }
0x1d8: {  	s19 =	rddreg [dreg:$0x7];
	[sflag:s12] =	ssyncadd.s32 $0xFFFF8000  }
0x1d9: {  	[hbm4b:s19+s3] =	stream.linear.scatter [tilespmem:s28], [sflag:$0x4], $0x8000, $0x38;
	[tilespmem:$0x18400] =	vst v63  }
0x1da: {  	_ =	swait.ge [sflag:s18], $0x8000  }
0x1db: {  	[sflag:s18] =	ssyncset.done $0x0  }
0x1dc: {  	[sflag:s18] =	ssyncadd.s32 $0xFFFF8000  }
0x1dd: {  	v3 =	vld [tilespmem:$0x280];
	_ =	sdelay $0x4  }
0x1de: {  	v40 =	vshll.u32 v3, $0x1  }
0x1df: {  	v3 =	vand.u32 $0x7, v3;
	v4 =	vand.u32 $0xFFFFFFF0, v40  }
0x1e0: {  	v3 =	vor.u32 v3, v4  }
0x1e1: {  	v4 =	vperm.xlane v3, v0;
	_ =	sdelay $0x1  }
0x1e2: {  	v3 =	vperm.xlane v3, v2;
	v4 =	vadd.s32 v1, v4;
	_ =	sdelay $0x1  }
0x1e3: {  	v3 =	vadd.s32 v1, v3;
	_ =	sdelay $0x2  }
0x1e4: {  	[tilespmem:s0], [sflag:$0x3] =	stream.indirect_vreg.gather [hbm4b:s1+s3], $0x80, v4, vm0, $0xb8;
	[tilespmem:$0x18400] =	vst v63  }
0x1e5: {  	_ = 	snop  }
0x1e6: {  	[tilespmem:s2], [sflag:$0x3] =	stream.indirect_vreg.gather [hbm4b:s1+s3], $0x80, v3, vm0, $0xb8;
	[tilespmem:$0x18400] =	vst v63  }
0x1e7: {  	v3 =	vld [tilespmem:$0x290];
	_ =	sdelay $0x4  }
0x1e8: {  	v41 =	vshll.u32 v3, $0x1  }
0x1e9: {  	v3 =	vand.u32 $0x7, v3;
	v4 =	vand.u32 $0xFFFFFFF0, v41  }
0x1ea: {  	v3 =	vor.u32 v3, v4  }
0x1eb: {  	v4 =	vperm.xlane v3, v0;
	_ =	sdelay $0x1  }
0x1ec: {  	v3 =	vperm.xlane v3, v2;
	v4 =	vadd.s32 v1, v4;
	_ =	sdelay $0x1  }
0x1ed: {  	v3 =	vadd.s32 v1, v3;
	_ =	sdelay $0x2  }
0x1ee: {  	[tilespmem:s4], [sflag:$0x3] =	stream.indirect_vreg.gather [hbm4b:s1+s3], $0x80, v4, vm0, $0xb8;
	[tilespmem:$0x18400] =	vst v63  }
0x1ef: {  	_ = 	snop  }
0x1f0: {  	[tilespmem:s6], [sflag:$0x3] =	stream.indirect_vreg.gather [hbm4b:s1+s3], $0x80, v3, vm0, $0xb8;
	[tilespmem:$0x18400] =	vst v63  }
0x1f1: {  	v3 =	vld [tilespmem:$0x2A0];
	_ =	sdelay $0x4  }
0x1f2: {  	v42 =	vshll.u32 v3, $0x1  }
0x1f3: {  	v3 =	vand.u32 $0x7, v3;
	v4 =	vand.u32 $0xFFFFFFF0, v42  }
0x1f4: {  	v3 =	vor.u32 v3, v4  }
0x1f5: {  	v4 =	vperm.xlane v3, v0;
	_ =	sdelay $0x1  }
0x1f6: {  	v3 =	vperm.xlane v3, v2;
	v4 =	vadd.s32 v1, v4;
	_ =	sdelay $0x1  }
0x1f7: {  	v3 =	vadd.s32 v1, v3;
	_ =	sdelay $0x2  }
0x1f8: {  	[tilespmem:s7], [sflag:$0x3] =	stream.indirect_vreg.gather [hbm4b:s1+s3], $0x80, v4, vm0, $0xb8;
	[tilespmem:$0x18400] =	vst v63  }
0x1f9: {  	_ = 	snop  }
0x1fa: {  	[tilespmem:s8], [sflag:$0x3] =	stream.indirect_vreg.gather [hbm4b:s1+s3], $0x80, v3, vm0, $0xb8;
	[tilespmem:$0x18400] =	vst v63  }
0x1fb: {  	v3 =	vld [tilespmem:$0x2B0];
	_ =	sdelay $0x4  }
0x1fc: {  	v43 =	vshll.u32 v3, $0x1  }
0x1fd: {  	v3 =	vand.u32 $0x7, v3;
	v4 =	vand.u32 $0xFFFFFFF0, v43  }
0x1fe: {  	v3 =	vor.u32 v3, v4  }
0x1ff: {  	v4 =	vperm.xlane v3, v0;
	_ =	sdelay $0x1  }
0x200: {  	v3 =	vperm.xlane v3, v2;
	v4 =	vadd.s32 v1, v4;
	_ =	sdelay $0x1  }
0x201: {  	v3 =	vadd.s32 v1, v3;
	_ =	sdelay $0x2  }
0x202: {  	[tilespmem:s9], [sflag:$0x3] =	stream.indirect_vreg.gather [hbm4b:s1+s3], $0x80, v4, vm0, $0xb8;
	[tilespmem:$0x18400] =	vst v63  }
0x203: {  	_ = 	snop  }
0x204: {  	[tilespmem:s10], [sflag:$0x3] =	stream.indirect_vreg.gather [hbm4b:s1+s3], $0x80, v3, vm0, $0xb8;
	[tilespmem:$0x18400] =	vst v63  }
0x205: {  	v3 =	vld [tilespmem:$0x2C0];
	_ =	sdelay $0x4  }
0x206: {  	v44 =	vshll.u32 v3, $0x1  }
0x207: {  	v3 =	vand.u32 $0x7, v3;
	v4 =	vand.u32 $0xFFFFFFF0, v44  }
0x208: {  	v3 =	vor.u32 v3, v4  }
0x209: {  	v4 =	vperm.xlane v3, v0;
	_ =	sdelay $0x1  }
0x20a: {  	v3 =	vperm.xlane v3, v2;
	v4 =	vadd.s32 v1, v4;
	_ =	sdelay $0x1  }
0x20b: {  	v3 =	vadd.s32 v1, v3;
	_ =	sdelay $0x2  }
0x20c: {  	[tilespmem:s11], [sflag:$0x3] =	stream.indirect_vreg.gather [hbm4b:s1+s3], $0x80, v4, vm0, $0xb8;
	[tilespmem:$0x18400] =	vst v63  }
0x20d: {  	_ = 	snop  }
0x20e: {  	[tilespmem:s13], [sflag:$0x3] =	stream.indirect_vreg.gather [hbm4b:s1+s3], $0x80, v3, vm0, $0xb8;
	[tilespmem:$0x18400] =	vst v63  }
0x20f: {  	v3 =	vld [tilespmem:$0x2D0];
	_ =	sdelay $0x4  }
0x210: {  	v45 =	vshll.u32 v3, $0x1  }
0x211: {  	v3 =	vand.u32 $0x7, v3;
	v4 =	vand.u32 $0xFFFFFFF0, v45  }
0x212: {  	v3 =	vor.u32 v3, v4  }
0x213: {  	v4 =	vperm.xlane v3, v0;
	_ =	sdelay $0x1  }
0x214: {  	v3 =	vperm.xlane v3, v2;
	v4 =	vadd.s32 v1, v4;
	_ =	sdelay $0x1  }
0x215: {  	v3 =	vadd.s32 v1, v3;
	_ =	sdelay $0x2  }
0x216: {  	[tilespmem:s20], [sflag:$0x3] =	stream.indirect_vreg.gather [hbm4b:s1+s3], $0x80, v4, vm0, $0xb8;
	[tilespmem:$0x18400] =	vst v63  }
0x217: {  	_ = 	snop  }
0x218: {  	[tilespmem:s21], [sflag:$0x3] =	stream.indirect_vreg.gather [hbm4b:s1+s3], $0x80, v3, vm0, $0xb8;
	[tilespmem:$0x18400] =	vst v63  }
0x219: {  	v3 =	vld [tilespmem:$0x2E0];
	_ =	sdelay $0x4  }
0x21a: {  	v46 =	vshll.u32 v3, $0x1  }
0x21b: {  	v3 =	vand.u32 $0x7, v3;
	v4 =	vand.u32 $0xFFFFFFF0, v46  }
0x21c: {  	v3 =	vor.u32 v3, v4  }
0x21d: {  	v4 =	vperm.xlane v3, v0;
	_ =	sdelay $0x1  }
0x21e: {  	v3 =	vperm.xlane v3, v2;
	v4 =	vadd.s32 v1, v4;
	_ =	sdelay $0x1  }
0x21f: {  	v3 =	vadd.s32 v1, v3;
	_ =	sdelay $0x2  }
0x220: {  	[tilespmem:s22], [sflag:$0x3] =	stream.indirect_vreg.gather [hbm4b:s1+s3], $0x80, v4, vm0, $0xb8;
	[tilespmem:$0x18400] =	vst v63  }
0x221: {  	_ = 	snop  }
0x222: {  	[tilespmem:s24], [sflag:$0x3] =	stream.indirect_vreg.gather [hbm4b:s1+s3], $0x80, v3, vm0, $0xb8;
	[tilespmem:$0x18400] =	vst v63  }
0x223: {  	v3 =	vld [tilespmem:$0x2F0];
	_ =	sdelay $0x4  }
0x224: {  	v47 =	vshll.u32 v3, $0x1  }
0x225: {  	v3 =	vand.u32 $0x7, v3;
	v4 =	vand.u32 $0xFFFFFFF0, v47  }
0x226: {  	v3 =	vor.u32 v3, v4  }
0x227: {  	v4 =	vperm.xlane v3, v0;
	_ =	sdelay $0x1  }
0x228: {  	v3 =	vperm.xlane v3, v2;
	v4 =	vadd.s32 v1, v4;
	_ =	sdelay $0x1  }
0x229: {  	v3 =	vadd.s32 v1, v3;
	_ =	sdelay $0x2  }
0x22a: {  	[tilespmem:s25], [sflag:$0x3] =	stream.indirect_vreg.gather [hbm4b:s1+s3], $0x80, v4, vm0, $0xb8;
	[tilespmem:$0x18400] =	vst v63  }
0x22b: {  	_ = 	snop  }
0x22c: {  	[tilespmem:s26], [sflag:$0x3] =	stream.indirect_vreg.gather [hbm4b:s1+s3], $0x80, v3, vm0, $0xb8;
	[tilespmem:$0x18400] =	vst v63  }
0x22d: {  	_ =	swait.ge [sflag:s14], $0x8000  }
0x22e: {  	[sflag:s14] =	ssyncset.done $0x0  }
0x22f: {  	s2 =	rddreg [dreg:$0x8];
	[sflag:s14] =	ssyncadd.s32 $0xFFFF8000  }
0x230: {  	[hbm4b:s2+s3] =	stream.linear.scatter [tilespmem:s23], [sflag:$0x5], $0x8000, $0x38;
	[tilespmem:$0x18400] =	vst v63  }
0x231: {  	_ =	swait.ge [sflag:s15], $0x8000  }
0x232: {  	[sflag:s15] =	ssyncset.done $0x0  }
0x233: {  	[sflag:s15] =	ssyncadd.s32 $0xFFFF8000  }
0x234: {  	v3 =	vld [tilespmem:$0x300];
	_ =	sdelay $0x4  }
0x235: {  	v48 =	vshll.u32 v3, $0x1  }
0x236: {  	v3 =	vand.u32 $0x7, v3;
	v4 =	vand.u32 $0xFFFFFFF0, v48  }
0x237: {  	v3 =	vor.u32 v3, v4  }
0x238: {  	v4 =	vperm.xlane v3, v0;
	_ =	sdelay $0x1  }
0x239: {  	v3 =	vperm.xlane v3, v2;
	v4 =	vadd.s32 v1, v4;
	_ =	sdelay $0x1  }
0x23a: {  	v3 =	vadd.s32 v1, v3;
	_ =	sdelay $0x2  }
0x23b: {  	[tilespmem:s28], [sflag:$0x1] =	stream.indirect_vreg.gather [hbm4b:s1+s3], $0x80, v4, vm0, $0xb8;
	[tilespmem:$0x18400] =	vst v63  }
0x23c: {  	s19 =	simm.s32 $0xC00  }
0x23d: {  	[tilespmem:s19], [sflag:$0x1] =	stream.indirect_vreg.gather [hbm4b:s1+s3], $0x80, v3, vm0, $0xb8;
	[tilespmem:$0x18400] =	vst v63  }
0x23e: {  	v3 =	vld [tilespmem:$0x310];
	_ =	sdelay $0x4  }
0x23f: {  	v49 =	vshll.u32 v3, $0x1  }
0x240: {  	v3 =	vand.u32 $0x7, v3;
	v4 =	vand.u32 $0xFFFFFFF0, v49  }
0x241: {  	v3 =	vor.u32 v3, v4  }
0x242: {  	v4 =	vperm.xlane v3, v0;
	_ =	sdelay $0x1  }
0x243: {  	v3 =	vperm.xlane v3, v2;
	v4 =	vadd.s32 v1, v4;
	_ =	sdelay $0x1  }
0x244: {  	v3 =	vadd.s32 v1, v3;
	_ =	sdelay $0x1  }
0x245: {  	s19 =	simm.s32 $0x1400  }
0x246: {  	[tilespmem:s19], [sflag:$0x1] =	stream.indirect_vreg.gather [hbm4b:s1+s3], $0x80, v4, vm0, $0xb8;
	[tilespmem:$0x18400] =	vst v63  }
0x247: {  	s19 =	simm.s32 $0x1C00  }
0x248: {  	[tilespmem:s19], [sflag:$0x1] =	stream.indirect_vreg.gather [hbm4b:s1+s3], $0x80, v3, vm0, $0xb8;
	[tilespmem:$0x18400] =	vst v63  }
0x249: {  	v3 =	vld [tilespmem:$0x320];
	_ =	sdelay $0x4  }
0x24a: {  	v50 =	vshll.u32 v3, $0x1  }
0x24b: {  	v3 =	vand.u32 $0x7, v3;
	v4 =	vand.u32 $0xFFFFFFF0, v50  }
0x24c: {  	v3 =	vor.u32 v3, v4  }
0x24d: {  	v4 =	vperm.xlane v3, v0;
	_ =	sdelay $0x1  }
0x24e: {  	v3 =	vperm.xlane v3, v2;
	v4 =	vadd.s32 v1, v4;
	_ =	sdelay $0x1  }
0x24f: {  	v3 =	vadd.s32 v1, v3;
	_ =	sdelay $0x1  }
0x250: {  	s19 =	simm.s32 $0x2400  }
0x251: {  	[tilespmem:s19], [sflag:$0x1] =	stream.indirect_vreg.gather [hbm4b:s1+s3], $0x80, v4, vm0, $0xb8;
	[tilespmem:$0x18400] =	vst v63  }
0x252: {  	s19 =	simm.s32 $0x2C00  }
0x253: {  	[tilespmem:s19], [sflag:$0x1] =	stream.indirect_vreg.gather [hbm4b:s1+s3], $0x80, v3, vm0, $0xb8;
	[tilespmem:$0x18400] =	vst v63  }
0x254: {  	v3 =	vld [tilespmem:$0x330];
	_ =	sdelay $0x4  }
0x255: {  	v51 =	vshll.u32 v3, $0x1  }
0x256: {  	v3 =	vand.u32 $0x7, v3;
	v4 =	vand.u32 $0xFFFFFFF0, v51  }
0x257: {  	v3 =	vor.u32 v3, v4  }
0x258: {  	v4 =	vperm.xlane v3, v0;
	_ =	sdelay $0x1  }
0x259: {  	v3 =	vperm.xlane v3, v2;
	v4 =	vadd.s32 v1, v4;
	_ =	sdelay $0x1  }
0x25a: {  	v3 =	vadd.s32 v1, v3;
	_ =	sdelay $0x1  }
0x25b: {  	s19 =	simm.s32 $0x3400  }
0x25c: {  	[tilespmem:s19], [sflag:$0x1] =	stream.indirect_vreg.gather [hbm4b:s1+s3], $0x80, v4, vm0, $0xb8;
	[tilespmem:$0x18400] =	vst v63  }
0x25d: {  	s19 =	simm.s32 $0x3C00  }
0x25e: {  	[tilespmem:s19], [sflag:$0x1] =	stream.indirect_vreg.gather [hbm4b:s1+s3], $0x80, v3, vm0, $0xb8;
	[tilespmem:$0x18400] =	vst v63  }
0x25f: {  	v3 =	vld [tilespmem:$0x340];
	_ =	sdelay $0x4  }
0x260: {  	v52 =	vshll.u32 v3, $0x1  }
0x261: {  	v3 =	vand.u32 $0x7, v3;
	v4 =	vand.u32 $0xFFFFFFF0, v52  }
0x262: {  	v3 =	vor.u32 v3, v4  }
0x263: {  	v4 =	vperm.xlane v3, v0;
	_ =	sdelay $0x1  }
0x264: {  	v3 =	vperm.xlane v3, v2;
	v4 =	vadd.s32 v1, v4;
	_ =	sdelay $0x1  }
0x265: {  	v3 =	vadd.s32 v1, v3;
	_ =	sdelay $0x2  }
0x266: {  	[tilespmem:s29], [sflag:$0x1] =	stream.indirect_vreg.gather [hbm4b:s1+s3], $0x80, v4, vm0, $0xb8;
	[tilespmem:$0x18400] =	vst v63  }
0x267: {  	_ = 	snop  }
0x268: {  	[tilespmem:s30], [sflag:$0x1] =	stream.indirect_vreg.gather [hbm4b:s1+s3], $0x80, v3, vm0, $0xb8;
	[tilespmem:$0x18400] =	vst v63  }
0x269: {  	v3 =	vld [tilespmem:$0x350];
	_ =	sdelay $0x4  }
0x26a: {  	v53 =	vshll.u32 v3, $0x1  }
0x26b: {  	v3 =	vand.u32 $0x7, v3;
	v4 =	vand.u32 $0xFFFFFFF0, v53  }
0x26c: {  	v3 =	vor.u32 v3, v4  }
0x26d: {  	v4 =	vperm.xlane v3, v0;
	_ =	sdelay $0x1  }
0x26e: {  	v3 =	vperm.xlane v3, v2;
	v4 =	vadd.s32 v1, v4;
	_ =	sdelay $0x1  }
0x26f: {  	v3 =	vadd.s32 v1, v3;
	_ =	sdelay $0x2  }
0x270: {  	[tilespmem:s31], [sflag:$0x1] =	stream.indirect_vreg.gather [hbm4b:s1+s3], $0x80, v4, vm0, $0xb8;
	[tilespmem:$0x18400] =	vst v63  }
0x271: {  	s19 =	simm.s32 $0x5C00  }
0x272: {  	[tilespmem:s19], [sflag:$0x1] =	stream.indirect_vreg.gather [hbm4b:s1+s3], $0x80, v3, vm0, $0xb8;
	[tilespmem:$0x18400] =	vst v63  }
0x273: {  	v3 =	vld [tilespmem:$0x360];
	_ =	sdelay $0x4  }
0x274: {  	v54 =	vshll.u32 v3, $0x1  }
0x275: {  	v3 =	vand.u32 $0x7, v3;
	v4 =	vand.u32 $0xFFFFFFF0, v54  }
0x276: {  	v3 =	vor.u32 v3, v4  }
0x277: {  	v4 =	vperm.xlane v3, v0;
	_ =	sdelay $0x1  }
0x278: {  	v3 =	vperm.xlane v3, v2;
	v4 =	vadd.s32 v1, v4;
	_ =	sdelay $0x1  }
0x279: {  	v3 =	vadd.s32 v1, v3;
	_ =	sdelay $0x1  }
0x27a: {  	s19 =	simm.s32 $0x6400  }
0x27b: {  	[tilespmem:s19], [sflag:$0x1] =	stream.indirect_vreg.gather [hbm4b:s1+s3], $0x80, v4, vm0, $0xb8;
	[tilespmem:$0x18400] =	vst v63  }
0x27c: {  	s19 =	simm.s32 $0x6C00  }
0x27d: {  	[tilespmem:s19], [sflag:$0x1] =	stream.indirect_vreg.gather [hbm4b:s1+s3], $0x80, v3, vm0, $0xb8;
	[tilespmem:$0x18400] =	vst v63  }
0x27e: {  	v3 =	vld [tilespmem:$0x370];
	_ =	sdelay $0x4  }
0x27f: {  	v55 =	vshll.u32 v3, $0x1  }
0x280: {  	v3 =	vand.u32 $0x7, v3;
	v4 =	vand.u32 $0xFFFFFFF0, v55  }
0x281: {  	v3 =	vor.u32 v3, v4  }
0x282: {  	v4 =	vperm.xlane v3, v0;
	_ =	sdelay $0x1  }
0x283: {  	v3 =	vperm.xlane v3, v2;
	v4 =	vadd.s32 v1, v4;
	_ =	sdelay $0x1  }
0x284: {  	v3 =	vadd.s32 v1, v3;
	_ =	sdelay $0x1  }
0x285: {  	s19 =	simm.s32 $0x7400  }
0x286: {  	[tilespmem:s19], [sflag:$0x1] =	stream.indirect_vreg.gather [hbm4b:s1+s3], $0x80, v4, vm0, $0xb8;
	[tilespmem:$0x18400] =	vst v63  }
0x287: {  	s19 =	simm.s32 $0x7C00  }
0x288: {  	[tilespmem:s19], [sflag:$0x1] =	stream.indirect_vreg.gather [hbm4b:s1+s3], $0x80, v3, vm0, $0xb8;
	[tilespmem:$0x18400] =	vst v63  }
0x289: {  	_ =	swait.ge [sflag:s16], $0x8000  }
0x28a: {  	[sflag:s16] =	ssyncset.done $0x0  }
0x28b: {  	s2 =	rddreg [dreg:$0x9];
	[sflag:s16] =	ssyncadd.s32 $0xFFFF8000  }
0x28c: {  	[hbm4b:s2+s3] =	stream.linear.scatter [tilespmem:s0], [sflag:$0x6], $0x8000, $0x38;
	[tilespmem:$0x18400] =	vst v63  }
0x28d: {  	_ =	swait.ge [sflag:s17], $0x8000  }
0x28e: {  	[sflag:s17] =	ssyncset.done $0x0  }
0x28f: {  	[sflag:s17] =	ssyncadd.s32 $0xFFFF8000  }
0x290: {  	v3 =	vld [tilespmem:$0x380];
	_ =	sdelay $0x4  }
0x291: {  	v56 =	vshll.u32 v3, $0x1  }
0x292: {  	v3 =	vand.u32 $0x7, v3;
	v4 =	vand.u32 $0xFFFFFFF0, v56  }
0x293: {  	v3 =	vor.u32 v3, v4  }
0x294: {  	v4 =	vperm.xlane v3, v0;
	_ =	sdelay $0x1  }
0x295: {  	v3 =	vperm.xlane v3, v2;
	v4 =	vadd.s32 v1, v4;
	_ =	sdelay $0x1  }
0x296: {  	v3 =	vadd.s32 v1, v3;
	_ =	sdelay $0x2  }
0x297: {  	[tilespmem:s23], [sflag:$0x2] =	stream.indirect_vreg.gather [hbm4b:s1+s3], $0x80, v4, vm0, $0xb8;
	[tilespmem:$0x18400] =	vst v63  }
0x298: {  	s19 =	simm.s32 $0x8C00  }
0x299: {  	[tilespmem:s19], [sflag:$0x2] =	stream.indirect_vreg.gather [hbm4b:s1+s3], $0x80, v3, vm0, $0xb8;
	[tilespmem:$0x18400] =	vst v63  }
0x29a: {  	v3 =	vld [tilespmem:$0x390];
	_ =	sdelay $0x4  }
0x29b: {  	v57 =	vshll.u32 v3, $0x1  }
0x29c: {  	v3 =	vand.u32 $0x7, v3;
	v4 =	vand.u32 $0xFFFFFFF0, v57  }
0x29d: {  	v3 =	vor.u32 v3, v4  }
0x29e: {  	v4 =	vperm.xlane v3, v0;
	_ =	sdelay $0x1  }
0x29f: {  	v3 =	vperm.xlane v3, v2;
	v4 =	vadd.s32 v1, v4;
	_ =	sdelay $0x1  }
0x2a0: {  	v3 =	vadd.s32 v1, v3;
	_ =	sdelay $0x1  }
0x2a1: {  	s2 =	simm.s32 $0x9400  }
0x2a2: {  	[tilespmem:s2], [sflag:$0x2] =	stream.indirect_vreg.gather [hbm4b:s1+s3], $0x80, v4, vm0, $0xb8;
	[tilespmem:$0x18400] =	vst v63  }
0x2a3: {  	s19 =	simm.s32 $0x9C00  }
0x2a4: {  	[tilespmem:s19], [sflag:$0x2] =	stream.indirect_vreg.gather [hbm4b:s1+s3], $0x80, v3, vm0, $0xb8;
	[tilespmem:$0x18400] =	vst v63  }
0x2a5: {  	v3 =	vld [tilespmem:$0x3A0];
	_ =	sdelay $0x4  }
0x2a6: {  	v58 =	vshll.u32 v3, $0x1  }
0x2a7: {  	v3 =	vand.u32 $0x7, v3;
	v4 =	vand.u32 $0xFFFFFFF0, v58  }
0x2a8: {  	v3 =	vor.u32 v3, v4  }
0x2a9: {  	v4 =	vperm.xlane v3, v0;
	_ =	sdelay $0x1  }
0x2aa: {  	v3 =	vperm.xlane v3, v2;
	v4 =	vadd.s32 v1, v4;
	_ =	sdelay $0x1  }
0x2ab: {  	v3 =	vadd.s32 v1, v3;
	_ =	sdelay $0x1  }
0x2ac: {  	s2 =	simm.s32 $0xA400  }
0x2ad: {  	[tilespmem:s2], [sflag:$0x2] =	stream.indirect_vreg.gather [hbm4b:s1+s3], $0x80, v4, vm0, $0xb8;
	[tilespmem:$0x18400] =	vst v63  }
0x2ae: {  	s19 =	simm.s32 $0xAC00  }
0x2af: {  	[tilespmem:s19], [sflag:$0x2] =	stream.indirect_vreg.gather [hbm4b:s1+s3], $0x80, v3, vm0, $0xb8;
	[tilespmem:$0x18400] =	vst v63  }
0x2b0: {  	v3 =	vld [tilespmem:$0x3B0];
	_ =	sdelay $0x4  }
0x2b1: {  	v59 =	vshll.u32 v3, $0x1  }
0x2b2: {  	v3 =	vand.u32 $0x7, v3;
	v4 =	vand.u32 $0xFFFFFFF0, v59  }
0x2b3: {  	v3 =	vor.u32 v3, v4  }
0x2b4: {  	v4 =	vperm.xlane v3, v0;
	_ =	sdelay $0x1  }
0x2b5: {  	v3 =	vperm.xlane v3, v2;
	v4 =	vadd.s32 v1, v4;
	_ =	sdelay $0x1  }
0x2b6: {  	v3 =	vadd.s32 v1, v3;
	_ =	sdelay $0x1  }
0x2b7: {  	s2 =	simm.s32 $0xB400  }
0x2b8: {  	[tilespmem:s2], [sflag:$0x2] =	stream.indirect_vreg.gather [hbm4b:s1+s3], $0x80, v4, vm0, $0xb8;
	[tilespmem:$0x18400] =	vst v63  }
0x2b9: {  	s19 =	simm.s32 $0xBC00  }
0x2ba: {  	[tilespmem:s19], [sflag:$0x2] =	stream.indirect_vreg.gather [hbm4b:s1+s3], $0x80, v3, vm0, $0xb8;
	[tilespmem:$0x18400] =	vst v63  }
0x2bb: {  	v3 =	vld [tilespmem:$0x3C0];
	_ =	sdelay $0x4  }
0x2bc: {  	v60 =	vshll.u32 v3, $0x1  }
0x2bd: {  	v3 =	vand.u32 $0x7, v3;
	v4 =	vand.u32 $0xFFFFFFF0, v60  }
0x2be: {  	v3 =	vor.u32 v3, v4  }
0x2bf: {  	v4 =	vperm.xlane v3, v0;
	_ =	sdelay $0x1  }
0x2c0: {  	v3 =	vperm.xlane v3, v2;
	v4 =	vadd.s32 v1, v4;
	_ =	sdelay $0x1  }
0x2c1: {  	v3 =	vadd.s32 v1, v3;
	_ =	sdelay $0x1  }
0x2c2: {  	s2 =	simm.s32 $0xC400  }
0x2c3: {  	[tilespmem:s2], [sflag:$0x2] =	stream.indirect_vreg.gather [hbm4b:s1+s3], $0x80, v4, vm0, $0xb8;
	[tilespmem:$0x18400] =	vst v63  }
0x2c4: {  	s19 =	simm.s32 $0xCC00  }
0x2c5: {  	[tilespmem:s19], [sflag:$0x2] =	stream.indirect_vreg.gather [hbm4b:s1+s3], $0x80, v3, vm0, $0xb8;
	[tilespmem:$0x18400] =	vst v63  }
0x2c6: {  	v3 =	vld [tilespmem:$0x3D0];
	_ =	sdelay $0x4  }
0x2c7: {  	v61 =	vshll.u32 v3, $0x1  }
0x2c8: {  	v3 =	vand.u32 $0x7, v3;
	v4 =	vand.u32 $0xFFFFFFF0, v61  }
0x2c9: {  	v3 =	vor.u32 v3, v4  }
0x2ca: {  	v4 =	vperm.xlane v3, v0;
	_ =	sdelay $0x1  }
0x2cb: {  	v3 =	vperm.xlane v3, v2;
	v4 =	vadd.s32 v1, v4;
	_ =	sdelay $0x1  }
0x2cc: {  	v3 =	vadd.s32 v1, v3;
	_ =	sdelay $0x1  }
0x2cd: {  	s2 =	simm.s32 $0xD400  }
0x2ce: {  	[tilespmem:s2], [sflag:$0x2] =	stream.indirect_vreg.gather [hbm4b:s1+s3], $0x80, v4, vm0, $0xb8;
	[tilespmem:$0x18400] =	vst v63  }
0x2cf: {  	s19 =	simm.s32 $0xDC00  }
0x2d0: {  	[tilespmem:s19], [sflag:$0x2] =	stream.indirect_vreg.gather [hbm4b:s1+s3], $0x80, v3, vm0, $0xb8;
	[tilespmem:$0x18400] =	vst v63  }
0x2d1: {  	v3 =	vld [tilespmem:$0x3E0];
	_ =	sdelay $0x4  }
0x2d2: {  	v62 =	vshll.u32 v3, $0x1  }
0x2d3: {  	v3 =	vand.u32 $0x7, v3;
	v4 =	vand.u32 $0xFFFFFFF0, v62  }
0x2d4: {  	v3 =	vor.u32 v3, v4  }
0x2d5: {  	v4 =	vperm.xlane v3, v0;
	_ =	sdelay $0x1  }
0x2d6: {  	v3 =	vperm.xlane v3, v2;
	v4 =	vadd.s32 v1, v4;
	_ =	sdelay $0x1  }
0x2d7: {  	v3 =	vadd.s32 v1, v3;
	_ =	sdelay $0x1  }
0x2d8: {  	s2 =	simm.s32 $0xE400  }
0x2d9: {  	[tilespmem:s2], [sflag:$0x2] =	stream.indirect_vreg.gather [hbm4b:s1+s3], $0x80, v4, vm0, $0xb8;
	[tilespmem:$0x18400] =	vst v63  }
0x2da: {  	s19 =	simm.s32 $0xEC00  }
0x2db: {  	[tilespmem:s19], [sflag:$0x2] =	stream.indirect_vreg.gather [hbm4b:s1+s3], $0x80, v3, vm0, $0xb8;
	[tilespmem:$0x18400] =	vst v63  }
0x2dc: {  	v3 =	vld [tilespmem:$0x3F0];
	_ =	sdelay $0x4  }
0x2dd: {  	v63 =	vshll.u32 v3, $0x1  }
0x2de: {  	v3 =	vand.u32 $0x7, v3;
	v4 =	vand.u32 $0xFFFFFFF0, v63  }
0x2df: {  	v3 =	vor.u32 v3, v4  }
0x2e0: {  	v4 =	vperm.xlane v3, v0;
	_ =	sdelay $0x1  }
0x2e1: {  	v3 =	vperm.xlane v3, v2;
	v4 =	vadd.s32 v1, v4;
	_ =	sdelay $0x1  }
0x2e2: {  	v3 =	vadd.s32 v1, v3;
	_ =	sdelay $0x1  }
0x2e3: {  	s2 =	simm.s32 $0xF400  }
0x2e4: {  	[tilespmem:s2], [sflag:$0x2] =	stream.indirect_vreg.gather [hbm4b:s1+s3], $0x80, v4, vm0, $0xb8;
	[tilespmem:$0x18400] =	vst v63  }
0x2e5: {  	s19 =	simm.s32 $0xFC00  }
0x2e6: {  	[tilespmem:s19], [sflag:$0x2] =	stream.indirect_vreg.gather [hbm4b:s1+s3], $0x80, v3, vm0, $0xb8;
	[tilespmem:$0x18400] =	vst v63  }
0x2e7: {  	_ =	swait.ge [sflag:s12], $0x8000  }
0x2e8: {  	[sflag:s12] =	ssyncset.done $0x0  }
0x2e9: {  	s0 =	rddreg [dreg:$0xa];
	[sflag:s12] =	ssyncadd.s32 $0xFFFF8000  }
0x2ea: {  	[hbm4b:s0+s3] =	stream.linear.scatter [tilespmem:s28], [sflag:$0x4], $0x8000, $0x38;
	[tilespmem:$0x18400] =	vst v63  }
0x2eb: {  	_ =	swait.ge [sflag:s14], $0x8000  }
0x2ec: {  	[sflag:s14] =	ssyncset.done $0x0  }
0x2ed: {  	s2 =	rddreg [dreg:$0xb];
	[sflag:s14] =	ssyncadd.s32 $0xFFFF8000  }
0x2ee: {  	[hbm4b:s2+s3] =	stream.linear.scatter [tilespmem:s23], [sflag:$0x5], $0x8000, $0x38;
	[tilespmem:$0x18400] =	vst v63  }
0x2ef: {  	_ =	swait.ge [sflag:s15], $0x8000  }
0x2f0: {  	[sflag:s15] =	ssyncset.done $0x0  }
0x2f1: {  	[sflag:s15] =	ssyncadd.s32 $0xFFFF8000  }
0x2f2: {  	p0 =	sne.s32 s5, $0x1;
	_ =	swait.ge [sflag:s17], $0x8000  }
.Ltmp0:
0x2f3: {  	[sflag:s17] =	ssyncset.done $0x0;
	(pc) =	sbr.rel @p0 .LBB2_1-.Ltmp0, $4  }
0x2f4: {  	[sflag:s17] =	ssyncadd.s32 $0xFFFF8000  }
0x2f5: {  	_ =	swait.ge [sflag:s18], $0x8000  }
0x2f6: {  	[sflag:s18] =	ssyncset.done $0x0  }
0x2f7: {  	s5 =	sadd.s32 $0xFFFFFFFF, s5;
	[sflag:s18] =	ssyncadd.s32 $0xFFFF8000  }
0x2f8: {  	_ =	sfence.sel $0x180000  }
0x2f9: {  	[bflag:$0x0] =	sbarrier.arrive $0xFFFF  }
0x2fa: {  	_ =	strace $0x90000047  }
0x2fb: {  	s0 =	stileid.u32;
	[bflag:$0x2] =	sbarrier.arrive $0xFFFF  }
0x2fc: {  	p0 =	sne.s32 s0, $0x0;
	s0 =	rddreg [dreg:$0x3]  }
0x2fd: {  	s0 =	sadd.s32 @!p0 $0x100000, s0  }
0x2fe: {  	[sflag:s0] =	ssyncadd.tile.s32 @!p0 $0x1;
	_ =	shalt  }
.Lfunc_end2:
_tile_overlayer_lowered:
.L_overlay_start_2:
0x2ff: {  	(tag) =	ssettag $0x2  }
0x300: {  	s0 =	rddreg [dreg:$0x0];
	s2 =	stileid.u32  }
0x301: {  	s1 =	rddreg [dreg:$0x1];
	p0 =	sne.s32 s2, $0x0  }
0x302: {  	s3 =	rddreg [dreg:$0x2];
	[bflag:$0x3] =	sbarrier.arrive $0xFFFF;
	s2 =	simm.s32 @!p0 $0x1C07  }
0x303: {  	[timem:s3], [sflag:s2] =	dma.local @!p0 [hbm:s0], s1  }
0x304: {  	s0 =	simm.s32 @!p0 $0x7  }
0x305: {  	_ =	swait.ge @!p0 [sflag:s0], s1  }
0x306: {  	s1 =	ssub.s32 @!p0 $0x0, s1;
	[sflag:s0] =	ssyncset.done @!p0 $0x0  }
0x307: {  	[sflag:s0] =	ssyncadd.s32 @!p0 s1  }
0x308: {  	[bflag:$0x3] =	sbarrier.arrive $0xFFFF  }
0x309: {  	_ =	shalt  }

</sc_bundles>
